<compile_context>
chip_gen: v7x
topology: tpu7x:2x2x1
jax: 0.10.2.dev20260603
libtpu: 0.0.44.dev20260713+nightly
codegen_flags: <defaults>
</compile_context>

<pallas_src>
import functools

import jax
import jax.numpy as jnp
from jax import lax
from jax.experimental import pallas as pl
from jax.experimental.pallas import tpu as pltpu
from jax.experimental.pallas import tpu_sc as plsc

N = 10000
E = 160000
F_IN = 500
H = 128
C = 3

KP = 512
CP = 8
NC = 2
NS = 16
NW = NC * NS
CHUNK = 128
EW = 5120
EP = NW * EW
RPT = 640
NP = NS * RPT
MB = 1024
EC = 4096
NEB = EP // EC
CH = NP // 128


def _cnt_body(dst_ref, o_ref):
    i = pl.program_id(0)
    d = dst_ref[0]
    hi = d >> 7
    lo = d & 127
    a = (lax.broadcasted_iota(jnp.int32, (CH, EC), 0) == hi).astype(jnp.float32)
    b = (lax.broadcasted_iota(jnp.int32, (128, EC), 0) == lo).astype(jnp.float32)
    part = lax.dot_general(a, b, (((1,), (1,)), ((), ())),
                           preferred_element_type=jnp.float32)

    @pl.when(i == 0)
    def _():
        o_ref[...] = jnp.zeros_like(o_ref)

    o_ref[...] += part


def _tc_cnt(dst3):
    return pl.pallas_call(
        _cnt_body,
        grid=(NEB,),
        in_specs=[pl.BlockSpec((1, 1, EC), lambda i: (i, 0, 0))],
        out_specs=pl.BlockSpec((CH, 128), lambda i: (0, 0)),
        out_shape=jax.ShapeDtypeStruct((CH, 128), jnp.float32),
    )(dst3)


def _tc1_body(x_ref, wl_ref, wr_ref, p_ref, r_ref):
    xb = x_ref[...]
    cdims = (((0,), (0,)), ((), ()))
    p_ref[...] = lax.dot_general(xb, wl_ref[...], cdims,
                                 preferred_element_type=jnp.float32)
    r_ref[...] = lax.dot_general(xb, wr_ref[...], cdims,
                                 preferred_element_type=jnp.float32)


def _tc1(xt_pad, w1l_t, w1r_t):
    return pl.pallas_call(
        _tc1_body,
        grid=(NP // MB,),
        in_specs=[
            pl.BlockSpec((KP, MB), lambda i: (0, i)),
            pl.BlockSpec((KP, H), lambda i: (0, 0)),
            pl.BlockSpec((KP, H), lambda i: (0, 0)),
        ],
        out_specs=[
            pl.BlockSpec((MB, H), lambda i: (i, 0)),
            pl.BlockSpec((MB, H), lambda i: (i, 0)),
        ],
        out_shape=[
            jax.ShapeDtypeStruct((NP, H), jnp.float32),
            jax.ShapeDtypeStruct((NP, H), jnp.float32),
        ],
    )(xt_pad, w1l_t, w1r_t)


def _sc_agg_body(tab_hbm, src_hbm, dst_hbm, zf_hbm,
                 acc_out0, acc_out1,
                 acc_sh, src_a, dst_a, rows0, rows1, sem0, sem1):
    c = lax.axis_index("c")
    s = lax.axis_index("s")
    wid = s * NC + c
    r0 = s * RPT
    nch = EW // CHUNK
    pltpu.sync_copy(zf_hbm.at[pl.ds(r0, RPT)], acc_sh.at[pl.ds(r0, RPT)])
    pltpu.sync_copy(src_hbm.at[pl.ds(wid * nch, nch)], src_a)
    pltpu.sync_copy(dst_hbm.at[pl.ds(wid * nch, nch)], dst_a)
    plsc.subcore_barrier()

    cp0 = pltpu.async_copy(tab_hbm.at[src_a.at[0]], rows0, sem0)

    def body(g, carry):
        i0 = g * 2
        pltpu.async_copy(tab_hbm.at[src_a.at[i0 + 1]], rows1, sem1)
        pltpu.make_async_copy(tab_hbm.at[src_a.at[i0]], rows0, sem0).wait()
        pltpu.sync_copy(rows0, acc_sh.at[dst_a.at[i0]], add=True)

        @pl.when(g < (nch // 2) - 1)
        def _():
            pltpu.async_copy(tab_hbm.at[src_a.at[i0 + 2]], rows0, sem0)

        pltpu.make_async_copy(tab_hbm.at[src_a.at[i0 + 1]], rows1, sem1).wait()
        pltpu.sync_copy(rows1, acc_sh.at[dst_a.at[i0 + 1]], add=True)
        return carry

    lax.fori_loop(0, nch // 2, body, 0)
    plsc.subcore_barrier()

    @pl.when(c == 0)
    def _():
        pltpu.sync_copy(acc_sh.at[pl.ds(r0, RPT)], acc_out0.at[pl.ds(r0, RPT)])

    @pl.when(c == 1)
    def _():
        pltpu.sync_copy(acc_sh.at[pl.ds(r0, RPT)], acc_out1.at[pl.ds(r0, RPT)])


def _sc_agg(tab, src2, dst2, zf):
    mesh = plsc.VectorSubcoreMesh(core_axis_name="c", subcore_axis_name="s")
    nch = EW // CHUNK
    kfn = pl.kernel(
        _sc_agg_body,
        mesh=mesh,
        out_type=[
            jax.ShapeDtypeStruct((NP, H), jnp.float32),
            jax.ShapeDtypeStruct((NP, H), jnp.float32),
        ],
        scratch_types=[
            pltpu.VMEM_SHARED((NP, H), jnp.float32),
            pltpu.VMEM((nch, CHUNK), jnp.int32),
            pltpu.VMEM((nch, CHUNK), jnp.int32),
            pltpu.VMEM((CHUNK, H), jnp.float32),
            pltpu.VMEM((CHUNK, H), jnp.float32),
            pltpu.SemaphoreType.DMA,
            pltpu.SemaphoreType.DMA,
        ],
    )
    return kfn(tab, src2, dst2, zf)


def _tc2_body(a0_ref, a1_ref, cnt_ref, r1_ref, b1_ref, wl_ref, wr_ref,
              p2_ref, r2_ref):
    ssum = a0_ref[...] + a1_ref[...]
    rinv = 1.0 / jnp.maximum(cnt_ref[...], 1.0)
    h = jnp.maximum(ssum * rinv + b1_ref[...] + r1_ref[...], 0.0)
    p2_ref[...] = jnp.dot(h, wl_ref[...], preferred_element_type=jnp.float32)
    r2_ref[...] = jnp.dot(h, wr_ref[...], preferred_element_type=jnp.float32)


def _tc2(a0, a1, cnt_col, r1, b1r, w2l_t, w2r_t):
    return pl.pallas_call(
        _tc2_body,
        grid=(NP // MB,),
        in_specs=[
            pl.BlockSpec((MB, H), lambda i: (i, 0)),
            pl.BlockSpec((MB, H), lambda i: (i, 0)),
            pl.BlockSpec((MB, 1), lambda i: (i, 0)),
            pl.BlockSpec((MB, H), lambda i: (i, 0)),
            pl.BlockSpec((1, H), lambda i: (0, 0)),
            pl.BlockSpec((H, H), lambda i: (0, 0)),
            pl.BlockSpec((H, CP), lambda i: (0, 0)),
        ],
        out_specs=[
            pl.BlockSpec((MB, H), lambda i: (i, 0)),
            pl.BlockSpec((MB, CP), lambda i: (i, 0)),
        ],
        out_shape=[
            jax.ShapeDtypeStruct((NP, H), jnp.float32),
            jax.ShapeDtypeStruct((NP, CP), jnp.float32),
        ],
    )(a0, a1, cnt_col, r1, b1r, w2l_t, w2r_t)


def _tc3_body(a0_ref, a1_ref, cnt_ref, r2_ref, b2_ref, o_ref):
    ssum = a0_ref[...][:, :CP] + a1_ref[...][:, :CP]
    rinv = 1.0 / jnp.maximum(cnt_ref[...], 1.0)
    o_ref[...] = ssum * rinv + b2_ref[...] + r2_ref[...]


def _tc3(a0, a1, cnt_col, r2, b2r):
    return pl.pallas_call(
        _tc3_body,
        grid=(NP // MB,),
        in_specs=[
            pl.BlockSpec((MB, H), lambda i: (i, 0)),
            pl.BlockSpec((MB, H), lambda i: (i, 0)),
            pl.BlockSpec((MB, 1), lambda i: (i, 0)),
            pl.BlockSpec((MB, CP), lambda i: (i, 0)),
            pl.BlockSpec((1, CP), lambda i: (0, 0)),
        ],
        out_specs=pl.BlockSpec((MB, CP), lambda i: (i, 0)),
        out_shape=jax.ShapeDtypeStruct((NP, CP), jnp.float32),
    )(a0, a1, cnt_col, r2, b2r)


def kernel(x, edge_index, W1l, b1, W1r, W2l, b2, W2r):
    xt_pad = jnp.pad(x.T, ((0, KP - F_IN), (0, NP - N)))
    w1l_t = jnp.pad(W1l.T, ((0, KP - F_IN), (0, 0)))
    w1r_t = jnp.pad(W1r.T, ((0, KP - F_IN), (0, 0)))
    w2l_t = jnp.pad(W2l.T, ((0, 0), (0, H - C)))
    w2r_t = jnp.pad(W2r.T, ((0, 0), (0, CP - C)))
    b1r = b1.reshape(1, H)
    b2r = jnp.pad(b2, (0, CP - C)).reshape(1, CP)

    src = edge_index[0]
    dst = edge_index[1]
    src_p = jnp.concatenate([src, jnp.zeros((EP - E,), jnp.int32)])
    dst_p = jnp.concatenate([dst, jnp.full((EP - E,), N, jnp.int32)])
    dst3 = dst_p.reshape(NEB, 1, EC)
    src2 = src_p.reshape(EP // CHUNK, CHUNK)
    dst2 = dst_p.reshape(EP // CHUNK, CHUNK)
    zf = jnp.zeros((NP, H), jnp.float32)

    cmat = _tc_cnt(dst3)
    cnt_col = cmat.reshape(NP, 1)

    p1, r1 = _tc1(xt_pad, w1l_t, w1r_t)
    acc0, acc1 = _sc_agg(p1, src2, dst2, zf)
    p2, r2 = _tc2(acc0, acc1, cnt_col, r1, b1r, w2l_t, w2r_t)

    acc20, acc21 = _sc_agg(p2, src2, dst2, zf)
    out = _tc3(acc20, acc21, cnt_col, r2, b2r)
    return out[:N, :C]

# --- scband reference (transcript-rebuilt; emitter-appended) ---
"""Pipeline reference for scband-gnn-45226005626987 (READ-ONLY COPY).

The authoritative reference and input builder live on the scoring server;
editing this copy changes nothing except your own understanding.
"""

import jax, jax.numpy as jnp
import numpy as np

N = 10000
E = 160000
F_IN = 500   # PubMed num_node_features
H = 128      # hidden_channels
C = 3        # PubMed num_classes


def setup_inputs(seed: int = 0) -> dict:
    key = jax.random.key(seed)
    ks = jax.random.split(key, 9)
    x = jax.random.normal(ks[0], (N, F_IN), dtype=jnp.float32)
    edge_index = jax.random.randint(ks[1], (2, E), 0, N, dtype=jnp.int32)
    # SAGEConv layer 1: lin_l (aggregated neighbors, with bias) and lin_r (root, no bias)
    W1l = jax.random.normal(ks[2], (H, F_IN), dtype=jnp.float32) * (1.0 / np.sqrt(F_IN))
    b1 = jnp.zeros((H,), dtype=jnp.float32)
    W1r = jax.random.normal(ks[3], (H, F_IN), dtype=jnp.float32) * (1.0 / np.sqrt(F_IN))
    # SAGEConv layer 2
    W2l = jax.random.normal(ks[4], (C, H), dtype=jnp.float32) * (1.0 / np.sqrt(H))
    b2 = jnp.zeros((C,), dtype=jnp.float32)
    W2r = jax.random.normal(ks[5], (C, H), dtype=jnp.float32) * (1.0 / np.sqrt(H))
    return {
        "x": x,
        "edge_index": edge_index,
        "W1l": W1l,
        "b1": b1,
        "W1r": W1r,
        "W2l": W2l,
        "b2": b2,
        "W2r": W2r,
    }


def sage_conv(x, edge_index, Wl, bl, Wr):
    # PyG SAGEConv with aggr='mean': out = lin_l(mean_{j in N(i)} x_j) + lin_r(x_i)
    src = edge_index[0]
    dst = edge_index[1]
    msg = x[src]  # gather source-node features
    summed = jax.ops.segment_sum(msg, dst, num_segments=x.shape[0])
    cnt = jax.ops.segment_sum(jnp.ones((edge_index.shape[1],), dtype=x.dtype), dst,
                              num_segments=x.shape[0])
    mean = summed / jnp.clip(cnt, 1.0)[:, None]
    return mean @ Wl.T + bl + x @ Wr.T


def reference(x, edge_index, W1l, b1, W1r, W2l, b2, W2r):
    h = sage_conv(x, edge_index, W1l, b1, W1r)
    h = jax.nn.relu(h)
    # F.dropout(p=0.5, training=self.training) -> identity in eval mode
    out = sage_conv(h, edge_index, W2l, b2, W2r)
    return out

if __name__ == "__main__":
    import jax
    _d = setup_inputs()
    print(jax.jit(kernel)(*tuple(_d.values())))

</pallas_src>

<mosaic_0001>
#map = affine_map<(d0, d1) -> (0, 0)>
module attributes {stable_mosaic.version = 14 : i64} {
  func.func @_sc_agg_body(%arg0: i32, %arg1: i32, %arg2: memref<10240x128xf32, #tpu.memory_space<hbm>>, %arg3: memref<1280x128xi32, #tpu.memory_space<hbm>>, %arg4: memref<1280x128xi32, #tpu.memory_space<hbm>>, %arg5: memref<10240x128xf32, #tpu.memory_space<hbm>>, %arg6: memref<10240x128xf32, #tpu.memory_space<hbm>>, %arg7: memref<10240x128xf32, #tpu.memory_space<hbm>>, %arg8: memref<10240x128xf32, #tpu.memory_space<vmem_shared>>, %arg9: memref<40x128xi32, #tpu.memory_space<vmem>>, %arg10: memref<40x128xi32, #tpu.memory_space<vmem>>, %arg11: memref<128x128xf32, #tpu.memory_space<vmem>>, %arg12: memref<128x128xf32, #tpu.memory_space<vmem>>, %arg13: memref<!tpu.dma_semaphore, #tpu.memory_space<semaphore_mem>>, %arg14: memref<!tpu.dma_semaphore, #tpu.memory_space<semaphore_mem>>) attributes {dimension_semantics = [#tpu.dimension_semantics<core_parallel>, #tpu.dimension_semantics<subcore_parallel>], iteration_bounds = array<i64: 2, 16>, scalar_prefetch = 0 : i64, scratch_operands = 7 : i64, tpu.core_type = #tpu.core_type<sc_vector_subcore>, window_params = [{transform_indices = #map}, {transform_indices = #map}, {transform_indices = #map}, {transform_indices = #map}, {transform_indices = #map}, {transform_indices = #map}]} {
    %mul3A = arith.constant 2 : i32
    %mul3A_0 = arith.muli %arg1, %mul3A : i32
    %add3A = arith.addi %mul3A_0, %arg0 : i32
    %mul3A_1 = arith.constant 640 : i32
    %mul3A_2 = arith.muli %arg1, %mul3A_1 : i32
    "tpu.region"() ({
      %run_scoped3A = tpu.sem_alloc : memref<!tpu.dma_semaphore, #tpu.memory_space<semaphore_mem>>
      %dma_start3A_26 = arith.constant 0 : i32
      %dma_start3A_27 = tpu.memref_slice %arg8[%mul3A_2, %dma_start3A_26] : memref<10240x128xf32, #tpu.memory_space<vmem_shared>> -> memref<640x128xf32, #tpu.memory_space<vmem_shared>>
      %dma_start3A_28 = arith.constant 0 : i32
      %dma_start3A_29 = tpu.memref_slice %arg5[%mul3A_2, %dma_start3A_28] : memref<10240x128xf32, #tpu.memory_space<hbm>> -> memref<640x128xf32, #tpu.memory_space<hbm>>
      tpu.enqueue_dma source(%dma_start3A_29 : memref<640x128xf32, #tpu.memory_space<hbm>>) target(%dma_start3A_27 : memref<640x128xf32, #tpu.memory_space<vmem_shared>>) target_semaphore(%run_scoped3A : memref<!tpu.dma_semaphore, #tpu.memory_space<semaphore_mem>>)
      %dma_wait3A = arith.constant 0 : i32
      %dma_wait3A_30 = tpu.memref_slice %arg8[%mul3A_2, %dma_wait3A] : memref<10240x128xf32, #tpu.memory_space<vmem_shared>> -> memref<640x128xf32, #tpu.memory_space<vmem_shared>>
      %dma_wait3A_31 = arith.constant 0 : i32
      %dma_wait3A_32 = tpu.memref_slice %arg5[%mul3A_2, %dma_wait3A_31] : memref<10240x128xf32, #tpu.memory_space<hbm>> -> memref<640x128xf32, #tpu.memory_space<hbm>>
      tpu.wait_dma2 semaphore(%run_scoped3A : memref<!tpu.dma_semaphore, #tpu.memory_space<semaphore_mem>>) src(%dma_wait3A_32 : memref<640x128xf32, #tpu.memory_space<hbm>>) dst(%dma_wait3A_30 : memref<640x128xf32, #tpu.memory_space<vmem_shared>>)
      tpu.yield
    }) : () -> ()
    %mul3A_3 = arith.constant 40 : i32
    %mul3A_4 = arith.muli %add3A, %mul3A_3 : i32
    "tpu.region"() ({
      %run_scoped3A = tpu.sem_alloc : memref<!tpu.dma_semaphore, #tpu.memory_space<semaphore_mem>>
      %dma_start3A_26 = arith.constant 0 : i32
      %dma_start3A_27 = tpu.memref_slice %arg3[%mul3A_4, %dma_start3A_26] : memref<1280x128xi32, #tpu.memory_space<hbm>> -> memref<40x128xi32, #tpu.memory_space<hbm>>
      %dma_start3A_28 = arith.constant 0 : i32
      %dma_start3A_29 = tpu.memref_slice %arg3[%mul3A_4, %dma_start3A_28] : memref<1280x128xi32, #tpu.memory_space<hbm>> -> memref<40x128xi32, #tpu.memory_space<hbm>>
      tpu.enqueue_dma source(%dma_start3A_29 : memref<40x128xi32, #tpu.memory_space<hbm>>) target(%arg9 : memref<40x128xi32, #tpu.memory_space<vmem>>) target_semaphore(%run_scoped3A : memref<!tpu.dma_semaphore, #tpu.memory_space<semaphore_mem>>)
      %dma_wait3A = arith.constant 0 : i32
      %dma_wait3A_30 = tpu.memref_slice %arg3[%mul3A_4, %dma_wait3A] : memref<1280x128xi32, #tpu.memory_space<hbm>> -> memref<40x128xi32, #tpu.memory_space<hbm>>
      %dma_wait3A_31 = arith.constant 0 : i32
      %dma_wait3A_32 = tpu.memref_slice %arg3[%mul3A_4, %dma_wait3A_31] : memref<1280x128xi32, #tpu.memory_space<hbm>> -> memref<40x128xi32, #tpu.memory_space<hbm>>
      tpu.wait_dma2 semaphore(%run_scoped3A : memref<!tpu.dma_semaphore, #tpu.memory_space<semaphore_mem>>) src(%dma_wait3A_32 : memref<40x128xi32, #tpu.memory_space<hbm>>) dst(%arg9 : memref<40x128xi32, #tpu.memory_space<vmem>>)
      tpu.yield
    }) : () -> ()
    %mul3A_5 = arith.constant 40 : i32
    %mul3A_6 = arith.muli %add3A, %mul3A_5 : i32
    "tpu.region"() ({
      %run_scoped3A = tpu.sem_alloc : memref<!tpu.dma_semaphore, #tpu.memory_space<semaphore_mem>>
      %dma_start3A_26 = arith.constant 0 : i32
      %dma_start3A_27 = tpu.memref_slice %arg4[%mul3A_6, %dma_start3A_26] : memref<1280x128xi32, #tpu.memory_space<hbm>> -> memref<40x128xi32, #tpu.memory_space<hbm>>
      %dma_start3A_28 = arith.constant 0 : i32
      %dma_start3A_29 = tpu.memref_slice %arg4[%mul3A_6, %dma_start3A_28] : memref<1280x128xi32, #tpu.memory_space<hbm>> -> memref<40x128xi32, #tpu.memory_space<hbm>>
      tpu.enqueue_dma source(%dma_start3A_29 : memref<40x128xi32, #tpu.memory_space<hbm>>) target(%arg10 : memref<40x128xi32, #tpu.memory_space<vmem>>) target_semaphore(%run_scoped3A : memref<!tpu.dma_semaphore, #tpu.memory_space<semaphore_mem>>)
      %dma_wait3A = arith.constant 0 : i32
      %dma_wait3A_30 = tpu.memref_slice %arg4[%mul3A_6, %dma_wait3A] : memref<1280x128xi32, #tpu.memory_space<hbm>> -> memref<40x128xi32, #tpu.memory_space<hbm>>
      %dma_wait3A_31 = arith.constant 0 : i32
      %dma_wait3A_32 = tpu.memref_slice %arg4[%mul3A_6, %dma_wait3A_31] : memref<1280x128xi32, #tpu.memory_space<hbm>> -> memref<40x128xi32, #tpu.memory_space<hbm>>
      tpu.wait_dma2 semaphore(%run_scoped3A : memref<!tpu.dma_semaphore, #tpu.memory_space<semaphore_mem>>) src(%dma_wait3A_32 : memref<40x128xi32, #tpu.memory_space<hbm>>) dst(%arg10 : memref<40x128xi32, #tpu.memory_space<vmem>>)
      tpu.yield
    }) : () -> ()
    %barrier3A = arith.constant 0 : index
    tpu.barrier barrier_id(%barrier3A)
    %dma_start3A = arith.constant 0 : i32
    %dma_start3A_7 = arith.constant 0 : i32
    %dma_start3A_8 = tpu.memref_slice %arg9[%dma_start3A, %dma_start3A_7] : memref<40x128xi32, #tpu.memory_space<vmem>> -> memref<1x128xi32, #tpu.memory_space<vmem>>
    %dma_start3A_9 = tpu.memref_squeeze %dma_start3A_8 : memref<1x128xi32, #tpu.memory_space<vmem>> -> memref<128xi32, #tpu.memory_space<vmem>>
    %dma_start3A_10 = arith.constant 0 : i32
    %dma_start3A_11 = arith.constant 0 : i32
    %dma_start3A_12 = tpu.memref_slice %arg2[%dma_start3A_10, %dma_start3A_11] : memref<10240x128xf32, #tpu.memory_space<hbm>> -> memref<10240x128xf32, #tpu.memory_space<hbm>>
    tpu.enqueue_indirect_dma source(%dma_start3A_12 : memref<10240x128xf32, #tpu.memory_space<hbm>>) target(%arg11 : memref<128x128xf32, #tpu.memory_space<vmem>>) offsets(%dma_start3A_9 : memref<128xi32, #tpu.memory_space<vmem>>) semaphore(%arg13 : memref<!tpu.dma_semaphore, #tpu.memory_space<semaphore_mem>>)
    %scan3A = arith.constant 0 : i32
    %scan3A_13 = arith.constant 0 : i32
    %scan3A_14 = arith.constant 20 : i32
    %scan3A_15 = arith.addi %scan3A_13, %scan3A_14 : i32
    %scan3A_16 = arith.constant 1 : i32
    scf.for %scan3A_26 = %scan3A_13 to %scan3A_15 step %scan3A_16  : i32 {
      %mul3A_27 = arith.constant 2 : i32
      %mul3A_28 = arith.muli %scan3A_26, %mul3A_27 : i32
      %add3A_29 = arith.constant 1 : i32
      %add3A_30 = arith.addi %mul3A_28, %add3A_29 : i32
      %dma_start3A_31 = arith.constant 0 : i32
      %dma_start3A_32 = tpu.memref_slice %arg9[%add3A_30, %dma_start3A_31] : memref<40x128xi32, #tpu.memory_space<vmem>> -> memref<1x128xi32, #tpu.memory_space<vmem>>
      %dma_start3A_33 = tpu.memref_squeeze %dma_start3A_32 : memref<1x128xi32, #tpu.memory_space<vmem>> -> memref<128xi32, #tpu.memory_space<vmem>>
      %dma_start3A_34 = arith.constant 0 : i32
      %dma_start3A_35 = arith.constant 0 : i32
      %dma_start3A_36 = tpu.memref_slice %arg2[%dma_start3A_34, %dma_start3A_35] : memref<10240x128xf32, #tpu.memory_space<hbm>> -> memref<10240x128xf32, #tpu.memory_space<hbm>>
      tpu.enqueue_indirect_dma source(%dma_start3A_36 : memref<10240x128xf32, #tpu.memory_space<hbm>>) target(%arg12 : memref<128x128xf32, #tpu.memory_space<vmem>>) offsets(%dma_start3A_33 : memref<128xi32, #tpu.memory_space<vmem>>) semaphore(%arg14 : memref<!tpu.dma_semaphore, #tpu.memory_space<semaphore_mem>>)
      %dma_wait3A = arith.constant 0 : i32
      %dma_wait3A_37 = tpu.memref_slice %arg9[%mul3A_28, %dma_wait3A] : memref<40x128xi32, #tpu.memory_space<vmem>> -> memref<1x128xi32, #tpu.memory_space<vmem>>
      %dma_wait3A_38 = tpu.memref_squeeze %dma_wait3A_37 : memref<1x128xi32, #tpu.memory_space<vmem>> -> memref<128xi32, #tpu.memory_space<vmem>>
      %dma_wait3A_39 = arith.constant 0 : i32
      %dma_wait3A_40 = arith.constant 0 : i32
      %dma_wait3A_41 = tpu.memref_slice %arg2[%dma_wait3A_39, %dma_wait3A_40] : memref<10240x128xf32, #tpu.memory_space<hbm>> -> memref<10240x128xf32, #tpu.memory_space<hbm>>
      tpu.wait_indirect_dma semaphore(%arg13 : memref<!tpu.dma_semaphore, #tpu.memory_space<semaphore_mem>>) src(%dma_wait3A_41 : memref<10240x128xf32, #tpu.memory_space<hbm>>) dst(%arg11 : memref<128x128xf32, #tpu.memory_space<vmem>>)
      "tpu.region"() ({
        %run_scoped3A = tpu.sem_alloc : memref<!tpu.dma_semaphore, #tpu.memory_space<semaphore_mem>>
        %dma_start3A_56 = arith.constant 0 : i32
        %dma_start3A_57 = tpu.memref_slice %arg10[%mul3A_28, %dma_start3A_56] : memref<40x128xi32, #tpu.memory_space<vmem>> -> memref<1x128xi32, #tpu.memory_space<vmem>>
        %dma_start3A_58 = tpu.memref_squeeze %dma_start3A_57 : memref<1x128xi32, #tpu.memory_space<vmem>> -> memref<128xi32, #tpu.memory_space<vmem>>
        %dma_start3A_59 = arith.constant 0 : i32
        %dma_start3A_60 = arith.constant 0 : i32
        %dma_start3A_61 = tpu.memref_slice %arg8[%dma_start3A_59, %dma_start3A_60] : memref<10240x128xf32, #tpu.memory_space<vmem_shared>> -> memref<10240x128xf32, #tpu.memory_space<vmem_shared>>
        tpu.enqueue_indirect_dma source(%arg11 : memref<128x128xf32, #tpu.memory_space<vmem>>) target(%dma_start3A_61 : memref<10240x128xf32, #tpu.memory_space<vmem_shared>>) offsets(%dma_start3A_58 : memref<128xi32, #tpu.memory_space<vmem>>) semaphore(%run_scoped3A : memref<!tpu.dma_semaphore, #tpu.memory_space<semaphore_mem>>) {add = true}
        %dma_wait3A_62 = arith.constant 0 : i32
        %dma_wait3A_63 = tpu.memref_slice %arg10[%mul3A_28, %dma_wait3A_62] : memref<40x128xi32, #tpu.memory_space<vmem>> -> memref<1x128xi32, #tpu.memory_space<vmem>>
        %dma_wait3A_64 = tpu.memref_squeeze %dma_wait3A_63 : memref<1x128xi32, #tpu.memory_space<vmem>> -> memref<128xi32, #tpu.memory_space<vmem>>
        %dma_wait3A_65 = arith.constant 0 : i32
        %dma_wait3A_66 = arith.constant 0 : i32
        %dma_wait3A_67 = tpu.memref_slice %arg8[%dma_wait3A_65, %dma_wait3A_66] : memref<10240x128xf32, #tpu.memory_space<vmem_shared>> -> memref<10240x128xf32, #tpu.memory_space<vmem_shared>>
        tpu.wait_indirect_dma semaphore(%run_scoped3A : memref<!tpu.dma_semaphore, #tpu.memory_space<semaphore_mem>>) src(%arg11 : memref<128x128xf32, #tpu.memory_space<vmem>>) dst(%dma_wait3A_67 : memref<10240x128xf32, #tpu.memory_space<vmem_shared>>)
        tpu.yield
      }) : () -> ()
      %lt3A = arith.constant 19 : i32
      %lt3A_42 = arith.cmpi slt, %scan3A_26, %lt3A : i32
      %convert_element_type3A_43 = arith.extui %lt3A_42 : i1 to i32
      %cond3A_44 = arith.constant 0 : i32
      %cond3A_45 = arith.cmpi ne, %convert_element_type3A_43, %cond3A_44 : i32
      scf.if %cond3A_45 {
        %add3A_56 = arith.constant 2 : i32
        %add3A_57 = arith.addi %mul3A_28, %add3A_56 : i32
        %dma_start3A_58 = arith.constant 0 : i32
        %dma_start3A_59 = tpu.memref_slice %arg9[%add3A_57, %dma_start3A_58] : memref<40x128xi32, #tpu.memory_space<vmem>> -> memref<1x128xi32, #tpu.memory_space<vmem>>
        %dma_start3A_60 = tpu.memref_squeeze %dma_start3A_59 : memref<1x128xi32, #tpu.memory_space<vmem>> -> memref<128xi32, #tpu.memory_space<vmem>>
        %dma_start3A_61 = arith.constant 0 : i32
        %dma_start3A_62 = arith.constant 0 : i32
        %dma_start3A_63 = tpu.memref_slice %arg2[%dma_start3A_61, %dma_start3A_62] : memref<10240x128xf32, #tpu.memory_space<hbm>> -> memref<10240x128xf32, #tpu.memory_space<hbm>>
        tpu.enqueue_indirect_dma source(%dma_start3A_63 : memref<10240x128xf32, #tpu.memory_space<hbm>>) target(%arg11 : memref<128x128xf32, #tpu.memory_space<vmem>>) offsets(%dma_start3A_60 : memref<128xi32, #tpu.memory_space<vmem>>) semaphore(%arg13 : memref<!tpu.dma_semaphore, #tpu.memory_space<semaphore_mem>>)
      } else {
      }
      %add3A_46 = arith.constant 1 : i32
      %add3A_47 = arith.addi %mul3A_28, %add3A_46 : i32
      %dma_wait3A_48 = arith.constant 0 : i32
      %dma_wait3A_49 = tpu.memref_slice %arg9[%add3A_47, %dma_wait3A_48] : memref<40x128xi32, #tpu.memory_space<vmem>> -> memref<1x128xi32, #tpu.memory_space<vmem>>
      %dma_wait3A_50 = tpu.memref_squeeze %dma_wait3A_49 : memref<1x128xi32, #tpu.memory_space<vmem>> -> memref<128xi32, #tpu.memory_space<vmem>>
      %dma_wait3A_51 = arith.constant 0 : i32
      %dma_wait3A_52 = arith.constant 0 : i32
      %dma_wait3A_53 = tpu.memref_slice %arg2[%dma_wait3A_51, %dma_wait3A_52] : memref<10240x128xf32, #tpu.memory_space<hbm>> -> memref<10240x128xf32, #tpu.memory_space<hbm>>
      tpu.wait_indirect_dma semaphore(%arg14 : memref<!tpu.dma_semaphore, #tpu.memory_space<semaphore_mem>>) src(%dma_wait3A_53 : memref<10240x128xf32, #tpu.memory_space<hbm>>) dst(%arg12 : memref<128x128xf32, #tpu.memory_space<vmem>>)
      %add3A_54 = arith.constant 1 : i32
      %add3A_55 = arith.addi %mul3A_28, %add3A_54 : i32
      "tpu.region"() ({
        %run_scoped3A = tpu.sem_alloc : memref<!tpu.dma_semaphore, #tpu.memory_space<semaphore_mem>>
        %dma_start3A_56 = arith.constant 0 : i32
        %dma_start3A_57 = tpu.memref_slice %arg10[%add3A_55, %dma_start3A_56] : memref<40x128xi32, #tpu.memory_space<vmem>> -> memref<1x128xi32, #tpu.memory_space<vmem>>
        %dma_start3A_58 = tpu.memref_squeeze %dma_start3A_57 : memref<1x128xi32, #tpu.memory_space<vmem>> -> memref<128xi32, #tpu.memory_space<vmem>>
        %dma_start3A_59 = arith.constant 0 : i32
        %dma_start3A_60 = arith.constant 0 : i32
        %dma_start3A_61 = tpu.memref_slice %arg8[%dma_start3A_59, %dma_start3A_60] : memref<10240x128xf32, #tpu.memory_space<vmem_shared>> -> memref<10240x128xf32, #tpu.memory_space<vmem_shared>>
        tpu.enqueue_indirect_dma source(%arg12 : memref<128x128xf32, #tpu.memory_space<vmem>>) target(%dma_start3A_61 : memref<10240x128xf32, #tpu.memory_space<vmem_shared>>) offsets(%dma_start3A_58 : memref<128xi32, #tpu.memory_space<vmem>>) semaphore(%run_scoped3A : memref<!tpu.dma_semaphore, #tpu.memory_space<semaphore_mem>>) {add = true}
        %dma_wait3A_62 = arith.constant 0 : i32
        %dma_wait3A_63 = tpu.memref_slice %arg10[%add3A_55, %dma_wait3A_62] : memref<40x128xi32, #tpu.memory_space<vmem>> -> memref<1x128xi32, #tpu.memory_space<vmem>>
        %dma_wait3A_64 = tpu.memref_squeeze %dma_wait3A_63 : memref<1x128xi32, #tpu.memory_space<vmem>> -> memref<128xi32, #tpu.memory_space<vmem>>
        %dma_wait3A_65 = arith.constant 0 : i32
        %dma_wait3A_66 = arith.constant 0 : i32
        %dma_wait3A_67 = tpu.memref_slice %arg8[%dma_wait3A_65, %dma_wait3A_66] : memref<10240x128xf32, #tpu.memory_space<vmem_shared>> -> memref<10240x128xf32, #tpu.memory_space<vmem_shared>>
        tpu.wait_indirect_dma semaphore(%run_scoped3A : memref<!tpu.dma_semaphore, #tpu.memory_space<semaphore_mem>>) src(%arg12 : memref<128x128xf32, #tpu.memory_space<vmem>>) dst(%dma_wait3A_67 : memref<10240x128xf32, #tpu.memory_space<vmem_shared>>)
        tpu.yield
      }) : () -> ()
    }
    %scan3A_17 = arith.constant 20 : i32
    %barrier3A_18 = arith.constant 0 : index
    tpu.barrier barrier_id(%barrier3A_18)
    %eq3A = arith.constant 0 : i32
    %eq3A_19 = arith.cmpi eq, %arg0, %eq3A : i32
    %convert_element_type3A = arith.extui %eq3A_19 : i1 to i32
    %cond3A = arith.constant 0 : i32
    %cond3A_20 = arith.cmpi ne, %convert_element_type3A, %cond3A : i32
    scf.if %cond3A_20 {
      "tpu.region"() ({
        %run_scoped3A = tpu.sem_alloc : memref<!tpu.dma_semaphore, #tpu.memory_space<semaphore_mem>>
        %dma_start3A_26 = arith.constant 0 : i32
        %dma_start3A_27 = tpu.memref_slice %arg6[%mul3A_2, %dma_start3A_26] : memref<10240x128xf32, #tpu.memory_space<hbm>> -> memref<640x128xf32, #tpu.memory_space<hbm>>
        %dma_start3A_28 = arith.constant 0 : i32
        %dma_start3A_29 = tpu.memref_slice %arg8[%mul3A_2, %dma_start3A_28] : memref<10240x128xf32, #tpu.memory_space<vmem_shared>> -> memref<640x128xf32, #tpu.memory_space<vmem_shared>>
        tpu.enqueue_dma source(%dma_start3A_29 : memref<640x128xf32, #tpu.memory_space<vmem_shared>>) target(%dma_start3A_27 : memref<640x128xf32, #tpu.memory_space<hbm>>) target_semaphore(%run_scoped3A : memref<!tpu.dma_semaphore, #tpu.memory_space<semaphore_mem>>)
        %dma_wait3A = arith.constant 0 : i32
        %dma_wait3A_30 = tpu.memref_slice %arg6[%mul3A_2, %dma_wait3A] : memref<10240x128xf32, #tpu.memory_space<hbm>> -> memref<640x128xf32, #tpu.memory_space<hbm>>
        %dma_wait3A_31 = arith.constant 0 : i32
        %dma_wait3A_32 = tpu.memref_slice %arg8[%mul3A_2, %dma_wait3A_31] : memref<10240x128xf32, #tpu.memory_space<vmem_shared>> -> memref<640x128xf32, #tpu.memory_space<vmem_shared>>
        tpu.wait_dma2 semaphore(%run_scoped3A : memref<!tpu.dma_semaphore, #tpu.memory_space<semaphore_mem>>) src(%dma_wait3A_32 : memref<640x128xf32, #tpu.memory_space<vmem_shared>>) dst(%dma_wait3A_30 : memref<640x128xf32, #tpu.memory_space<hbm>>)
        tpu.yield
      }) : () -> ()
    } else {
    }
    %eq3A_21 = arith.constant 1 : i32
    %eq3A_22 = arith.cmpi eq, %arg0, %eq3A_21 : i32
    %convert_element_type3A_23 = arith.extui %eq3A_22 : i1 to i32
    %cond3A_24 = arith.constant 0 : i32
    %cond3A_25 = arith.cmpi ne, %convert_element_type3A_23, %cond3A_24 : i32
    scf.if %cond3A_25 {
      "tpu.region"() ({
        %run_scoped3A = tpu.sem_alloc : memref<!tpu.dma_semaphore, #tpu.memory_space<semaphore_mem>>
        %dma_start3A_26 = arith.constant 0 : i32
        %dma_start3A_27 = tpu.memref_slice %arg7[%mul3A_2, %dma_start3A_26] : memref<10240x128xf32, #tpu.memory_space<hbm>> -> memref<640x128xf32, #tpu.memory_space<hbm>>
        %dma_start3A_28 = arith.constant 0 : i32
        %dma_start3A_29 = tpu.memref_slice %arg8[%mul3A_2, %dma_start3A_28] : memref<10240x128xf32, #tpu.memory_space<vmem_shared>> -> memref<640x128xf32, #tpu.memory_space<vmem_shared>>
        tpu.enqueue_dma source(%dma_start3A_29 : memref<640x128xf32, #tpu.memory_space<vmem_shared>>) target(%dma_start3A_27 : memref<640x128xf32, #tpu.memory_space<hbm>>) target_semaphore(%run_scoped3A : memref<!tpu.dma_semaphore, #tpu.memory_space<semaphore_mem>>)
        %dma_wait3A = arith.constant 0 : i32
        %dma_wait3A_30 = tpu.memref_slice %arg7[%mul3A_2, %dma_wait3A] : memref<10240x128xf32, #tpu.memory_space<hbm>> -> memref<640x128xf32, #tpu.memory_space<hbm>>
        %dma_wait3A_31 = arith.constant 0 : i32
        %dma_wait3A_32 = tpu.memref_slice %arg8[%mul3A_2, %dma_wait3A_31] : memref<10240x128xf32, #tpu.memory_space<vmem_shared>> -> memref<640x128xf32, #tpu.memory_space<vmem_shared>>
        tpu.wait_dma2 semaphore(%run_scoped3A : memref<!tpu.dma_semaphore, #tpu.memory_space<semaphore_mem>>) src(%dma_wait3A_32 : memref<640x128xf32, #tpu.memory_space<vmem_shared>>) dst(%dma_wait3A_30 : memref<640x128xf32, #tpu.memory_space<hbm>>)
        tpu.yield
      }) : () -> ()
    } else {
    }
    return
  }
}

#map = affine_map<(d0, d1) -> (0, 0)>
module attributes {stable_mosaic.version = 14 : i64} {
  func.func @_sc_agg_body(%arg0: i32, %arg1: i32, %arg2: memref<10240x128xf32, #tpu.memory_space<hbm>>, %arg3: memref<1280x128xi32, #tpu.memory_space<hbm>>, %arg4: memref<1280x128xi32, #tpu.memory_space<hbm>>, %arg5: memref<10240x128xf32, #tpu.memory_space<hbm>>, %arg6: memref<10240x128xf32, #tpu.memory_space<hbm>>, %arg7: memref<10240x128xf32, #tpu.memory_space<hbm>>, %arg8: memref<10240x128xf32, #tpu.memory_space<vmem_shared>>, %arg9: memref<40x128xi32, #tpu.memory_space<vmem>>, %arg10: memref<40x128xi32, #tpu.memory_space<vmem>>, %arg11: memref<128x128xf32, #tpu.memory_space<vmem>>, %arg12: memref<128x128xf32, #tpu.memory_space<vmem>>, %arg13: memref<!tpu.dma_semaphore, #tpu.memory_space<semaphore_mem>>, %arg14: memref<!tpu.dma_semaphore, #tpu.memory_space<semaphore_mem>>) attributes {dimension_semantics = [#tpu.dimension_semantics<core_parallel>, #tpu.dimension_semantics<subcore_parallel>], iteration_bounds = array<i64: 2, 16>, scalar_prefetch = 0 : i64, scratch_operands = 7 : i64, tpu.core_type = #tpu.core_type<sc_vector_subcore>, window_params = [{transform_indices = #map}, {transform_indices = #map}, {transform_indices = #map}, {transform_indices = #map}, {transform_indices = #map}, {transform_indices = #map}]} {
    %mul3A = arith.constant 2 : i32
    %mul3A_0 = arith.muli %arg1, %mul3A : i32
    %add3A = arith.addi %mul3A_0, %arg0 : i32
    %mul3A_1 = arith.constant 640 : i32
    %mul3A_2 = arith.muli %arg1, %mul3A_1 : i32
    "tpu.region"() ({
      %run_scoped3A = tpu.sem_alloc : memref<!tpu.dma_semaphore, #tpu.memory_space<semaphore_mem>>
      %dma_start3A_26 = arith.constant 0 : i32
      %dma_start3A_27 = tpu.memref_slice %arg8[%mul3A_2, %dma_start3A_26] : memref<10240x128xf32, #tpu.memory_space<vmem_shared>> -> memref<640x128xf32, #tpu.memory_space<vmem_shared>>
      %dma_start3A_28 = arith.constant 0 : i32
      %dma_start3A_29 = tpu.memref_slice %arg5[%mul3A_2, %dma_start3A_28] : memref<10240x128xf32, #tpu.memory_space<hbm>> -> memref<640x128xf32, #tpu.memory_space<hbm>>
      tpu.enqueue_dma source(%dma_start3A_29 : memref<640x128xf32, #tpu.memory_space<hbm>>) target(%dma_start3A_27 : memref<640x128xf32, #tpu.memory_space<vmem_shared>>) target_semaphore(%run_scoped3A : memref<!tpu.dma_semaphore, #tpu.memory_space<semaphore_mem>>)
      %dma_wait3A = arith.constant 0 : i32
      %dma_wait3A_30 = tpu.memref_slice %arg8[%mul3A_2, %dma_wait3A] : memref<10240x128xf32, #tpu.memory_space<vmem_shared>> -> memref<640x128xf32, #tpu.memory_space<vmem_shared>>
      %dma_wait3A_31 = arith.constant 0 : i32
      %dma_wait3A_32 = tpu.memref_slice %arg5[%mul3A_2, %dma_wait3A_31] : memref<10240x128xf32, #tpu.memory_space<hbm>> -> memref<640x128xf32, #tpu.memory_space<hbm>>
      tpu.wait_dma2 semaphore(%run_scoped3A : memref<!tpu.dma_semaphore, #tpu.memory_space<semaphore_mem>>) src(%dma_wait3A_32 : memref<640x128xf32, #tpu.memory_space<hbm>>) dst(%dma_wait3A_30 : memref<640x128xf32, #tpu.memory_space<vmem_shared>>)
      tpu.yield
    }) : () -> ()
    %mul3A_3 = arith.constant 40 : i32
    %mul3A_4 = arith.muli %add3A, %mul3A_3 : i32
    "tpu.region"() ({
      %run_scoped3A = tpu.sem_alloc : memref<!tpu.dma_semaphore, #tpu.memory_space<semaphore_mem>>
      %dma_start3A_26 = arith.constant 0 : i32
      %dma_start3A_27 = tpu.memref_slice %arg3[%mul3A_4, %dma_start3A_26] : memref<1280x128xi32, #tpu.memory_space<hbm>> -> memref<40x128xi32, #tpu.memory_space<hbm>>
      %dma_start3A_28 = arith.constant 0 : i32
      %dma_start3A_29 = tpu.memref_slice %arg3[%mul3A_4, %dma_start3A_28] : memref<1280x128xi32, #tpu.memory_space<hbm>> -> memref<40x128xi32, #tpu.memory_space<hbm>>
      tpu.enqueue_dma source(%dma_start3A_29 : memref<40x128xi32, #tpu.memory_space<hbm>>) target(%arg9 : memref<40x128xi32, #tpu.memory_space<vmem>>) target_semaphore(%run_scoped3A : memref<!tpu.dma_semaphore, #tpu.memory_space<semaphore_mem>>)
      %dma_wait3A = arith.constant 0 : i32
      %dma_wait3A_30 = tpu.memref_slice %arg3[%mul3A_4, %dma_wait3A] : memref<1280x128xi32, #tpu.memory_space<hbm>> -> memref<40x128xi32, #tpu.memory_space<hbm>>
      %dma_wait3A_31 = arith.constant 0 : i32
      %dma_wait3A_32 = tpu.memref_slice %arg3[%mul3A_4, %dma_wait3A_31] : memref<1280x128xi32, #tpu.memory_space<hbm>> -> memref<40x128xi32, #tpu.memory_space<hbm>>
      tpu.wait_dma2 semaphore(%run_scoped3A : memref<!tpu.dma_semaphore, #tpu.memory_space<semaphore_mem>>) src(%dma_wait3A_32 : memref<40x128xi32, #tpu.memory_space<hbm>>) dst(%arg9 : memref<40x128xi32, #tpu.memory_space<vmem>>)
      tpu.yield
    }) : () -> ()
    %mul3A_5 = arith.constant 40 : i32
    %mul3A_6 = arith.muli %add3A, %mul3A_5 : i32
    "tpu.region"() ({
      %run_scoped3A = tpu.sem_alloc : memref<!tpu.dma_semaphore, #tpu.memory_space<semaphore_mem>>
      %dma_start3A_26 = arith.constant 0 : i32
      %dma_start3A_27 = tpu.memref_slice %arg4[%mul3A_6, %dma_start3A_26] : memref<1280x128xi32, #tpu.memory_space<hbm>> -> memref<40x128xi32, #tpu.memory_space<hbm>>
      %dma_start3A_28 = arith.constant 0 : i32
      %dma_start3A_29 = tpu.memref_slice %arg4[%mul3A_6, %dma_start3A_28] : memref<1280x128xi32, #tpu.memory_space<hbm>> -> memref<40x128xi32, #tpu.memory_space<hbm>>
      tpu.enqueue_dma source(%dma_start3A_29 : memref<40x128xi32, #tpu.memory_space<hbm>>) target(%arg10 : memref<40x128xi32, #tpu.memory_space<vmem>>) target_semaphore(%run_scoped3A : memref<!tpu.dma_semaphore, #tpu.memory_space<semaphore_mem>>)
      %dma_wait3A = arith.constant 0 : i32
      %dma_wait3A_30 = tpu.memref_slice %arg4[%mul3A_6, %dma_wait3A] : memref<1280x128xi32, #tpu.memory_space<hbm>> -> memref<40x128xi32, #tpu.memory_space<hbm>>
      %dma_wait3A_31 = arith.constant 0 : i32
      %dma_wait3A_32 = tpu.memref_slice %arg4[%mul3A_6, %dma_wait3A_31] : memref<1280x128xi32, #tpu.memory_space<hbm>> -> memref<40x128xi32, #tpu.memory_space<hbm>>
      tpu.wait_dma2 semaphore(%run_scoped3A : memref<!tpu.dma_semaphore, #tpu.memory_space<semaphore_mem>>) src(%dma_wait3A_32 : memref<40x128xi32, #tpu.memory_space<hbm>>) dst(%arg10 : memref<40x128xi32, #tpu.memory_space<vmem>>)
      tpu.yield
    }) : () -> ()
    %barrier3A = arith.constant 0 : index
    tpu.barrier barrier_id(%barrier3A)
    %dma_start3A = arith.constant 0 : i32
    %dma_start3A_7 = arith.constant 0 : i32
    %dma_start3A_8 = tpu.memref_slice %arg9[%dma_start3A, %dma_start3A_7] : memref<40x128xi32, #tpu.memory_space<vmem>> -> memref<1x128xi32, #tpu.memory_space<vmem>>
    %dma_start3A_9 = tpu.memref_squeeze %dma_start3A_8 : memref<1x128xi32, #tpu.memory_space<vmem>> -> memref<128xi32, #tpu.memory_space<vmem>>
    %dma_start3A_10 = arith.constant 0 : i32
    %dma_start3A_11 = arith.constant 0 : i32
    %dma_start3A_12 = tpu.memref_slice %arg2[%dma_start3A_10, %dma_start3A_11] : memref<10240x128xf32, #tpu.memory_space<hbm>> -> memref<10240x128xf32, #tpu.memory_space<hbm>>
    tpu.enqueue_indirect_dma source(%dma_start3A_12 : memref<10240x128xf32, #tpu.memory_space<hbm>>) target(%arg11 : memref<128x128xf32, #tpu.memory_space<vmem>>) offsets(%dma_start3A_9 : memref<128xi32, #tpu.memory_space<vmem>>) semaphore(%arg13 : memref<!tpu.dma_semaphore, #tpu.memory_space<semaphore_mem>>)
    %scan3A = arith.constant 0 : i32
    %scan3A_13 = arith.constant 0 : i32
    %scan3A_14 = arith.constant 20 : i32
    %scan3A_15 = arith.addi %scan3A_13, %scan3A_14 : i32
    %scan3A_16 = arith.constant 1 : i32
    scf.for %scan3A_26 = %scan3A_13 to %scan3A_15 step %scan3A_16  : i32 {
      %mul3A_27 = arith.constant 2 : i32
      %mul3A_28 = arith.muli %scan3A_26, %mul3A_27 : i32
      %add3A_29 = arith.constant 1 : i32
      %add3A_30 = arith.addi %mul3A_28, %add3A_29 : i32
      %dma_start3A_31 = arith.constant 0 : i32
      %dma_start3A_32 = tpu.memref_slice %arg9[%add3A_30, %dma_start3A_31] : memref<40x128xi32, #tpu.memory_space<vmem>> -> memref<1x128xi32, #tpu.memory_space<vmem>>
      %dma_start3A_33 = tpu.memref_squeeze %dma_start3A_32 : memref<1x128xi32, #tpu.memory_space<vmem>> -> memref<128xi32, #tpu.memory_space<vmem>>
      %dma_start3A_34 = arith.constant 0 : i32
      %dma_start3A_35 = arith.constant 0 : i32
      %dma_start3A_36 = tpu.memref_slice %arg2[%dma_start3A_34, %dma_start3A_35] : memref<10240x128xf32, #tpu.memory_space<hbm>> -> memref<10240x128xf32, #tpu.memory_space<hbm>>
      tpu.enqueue_indirect_dma source(%dma_start3A_36 : memref<10240x128xf32, #tpu.memory_space<hbm>>) target(%arg12 : memref<128x128xf32, #tpu.memory_space<vmem>>) offsets(%dma_start3A_33 : memref<128xi32, #tpu.memory_space<vmem>>) semaphore(%arg14 : memref<!tpu.dma_semaphore, #tpu.memory_space<semaphore_mem>>)
      %dma_wait3A = arith.constant 0 : i32
      %dma_wait3A_37 = tpu.memref_slice %arg9[%mul3A_28, %dma_wait3A] : memref<40x128xi32, #tpu.memory_space<vmem>> -> memref<1x128xi32, #tpu.memory_space<vmem>>
      %dma_wait3A_38 = tpu.memref_squeeze %dma_wait3A_37 : memref<1x128xi32, #tpu.memory_space<vmem>> -> memref<128xi32, #tpu.memory_space<vmem>>
      %dma_wait3A_39 = arith.constant 0 : i32
      %dma_wait3A_40 = arith.constant 0 : i32
      %dma_wait3A_41 = tpu.memref_slice %arg2[%dma_wait3A_39, %dma_wait3A_40] : memref<10240x128xf32, #tpu.memory_space<hbm>> -> memref<10240x128xf32, #tpu.memory_space<hbm>>
      tpu.wait_indirect_dma semaphore(%arg13 : memref<!tpu.dma_semaphore, #tpu.memory_space<semaphore_mem>>) src(%dma_wait3A_41 : memref<10240x128xf32, #tpu.memory_space<hbm>>) dst(%arg11 : memref<128x128xf32, #tpu.memory_space<vmem>>)
      "tpu.region"() ({
        %run_scoped3A = tpu.sem_alloc : memref<!tpu.dma_semaphore, #tpu.memory_space<semaphore_mem>>
        %dma_start3A_56 = arith.constant 0 : i32
        %dma_start3A_57 = tpu.memref_slice %arg10[%mul3A_28, %dma_start3A_56] : memref<40x128xi32, #tpu.memory_space<vmem>> -> memref<1x128xi32, #tpu.memory_space<vmem>>
        %dma_start3A_58 = tpu.memref_squeeze %dma_start3A_57 : memref<1x128xi32, #tpu.memory_space<vmem>> -> memref<128xi32, #tpu.memory_space<vmem>>
        %dma_start3A_59 = arith.constant 0 : i32
        %dma_start3A_60 = arith.constant 0 : i32
        %dma_start3A_61 = tpu.memref_slice %arg8[%dma_start3A_59, %dma_start3A_60] : memref<10240x128xf32, #tpu.memory_space<vmem_shared>> -> memref<10240x128xf32, #tpu.memory_space<vmem_shared>>
        tpu.enqueue_indirect_dma source(%arg11 : memref<128x128xf32, #tpu.memory_space<vmem>>) target(%dma_start3A_61 : memref<10240x128xf32, #tpu.memory_space<vmem_shared>>) offsets(%dma_start3A_58 : memref<128xi32, #tpu.memory_space<vmem>>) semaphore(%run_scoped3A : memref<!tpu.dma_semaphore, #tpu.memory_space<semaphore_mem>>) {add = true}
        %dma_wait3A_62 = arith.constant 0 : i32
        %dma_wait3A_63 = tpu.memref_slice %arg10[%mul3A_28, %dma_wait3A_62] : memref<40x128xi32, #tpu.memory_space<vmem>> -> memref<1x128xi32, #tpu.memory_space<vmem>>
        %dma_wait3A_64 = tpu.memref_squeeze %dma_wait3A_63 : memref<1x128xi32, #tpu.memory_space<vmem>> -> memref<128xi32, #tpu.memory_space<vmem>>
        %dma_wait3A_65 = arith.constant 0 : i32
        %dma_wait3A_66 = arith.constant 0 : i32
        %dma_wait3A_67 = tpu.memref_slice %arg8[%dma_wait3A_65, %dma_wait3A_66] : memref<10240x128xf32, #tpu.memory_space<vmem_shared>> -> memref<10240x128xf32, #tpu.memory_space<vmem_shared>>
        tpu.wait_indirect_dma semaphore(%run_scoped3A : memref<!tpu.dma_semaphore, #tpu.memory_space<semaphore_mem>>) src(%arg11 : memref<128x128xf32, #tpu.memory_space<vmem>>) dst(%dma_wait3A_67 : memref<10240x128xf32, #tpu.memory_space<vmem_shared>>)
        tpu.yield
      }) : () -> ()
      %lt3A = arith.constant 19 : i32
      %lt3A_42 = arith.cmpi slt, %scan3A_26, %lt3A : i32
      %convert_element_type3A_43 = arith.extui %lt3A_42 : i1 to i32
      %cond3A_44 = arith.constant 0 : i32
      %cond3A_45 = arith.cmpi ne, %convert_element_type3A_43, %cond3A_44 : i32
      scf.if %cond3A_45 {
        %add3A_56 = arith.constant 2 : i32
        %add3A_57 = arith.addi %mul3A_28, %add3A_56 : i32
        %dma_start3A_58 = arith.constant 0 : i32
        %dma_start3A_59 = tpu.memref_slice %arg9[%add3A_57, %dma_start3A_58] : memref<40x128xi32, #tpu.memory_space<vmem>> -> memref<1x128xi32, #tpu.memory_space<vmem>>
        %dma_start3A_60 = tpu.memref_squeeze %dma_start3A_59 : memref<1x128xi32, #tpu.memory_space<vmem>> -> memref<128xi32, #tpu.memory_space<vmem>>
        %dma_start3A_61 = arith.constant 0 : i32
        %dma_start3A_62 = arith.constant 0 : i32
        %dma_start3A_63 = tpu.memref_slice %arg2[%dma_start3A_61, %dma_start3A_62] : memref<10240x128xf32, #tpu.memory_space<hbm>> -> memref<10240x128xf32, #tpu.memory_space<hbm>>
        tpu.enqueue_indirect_dma source(%dma_start3A_63 : memref<10240x128xf32, #tpu.memory_space<hbm>>) target(%arg11 : memref<128x128xf32, #tpu.memory_space<vmem>>) offsets(%dma_start3A_60 : memref<128xi32, #tpu.memory_space<vmem>>) semaphore(%arg13 : memref<!tpu.dma_semaphore, #tpu.memory_space<semaphore_mem>>)
      } else {
      }
      %add3A_46 = arith.constant 1 : i32
      %add3A_47 = arith.addi %mul3A_28, %add3A_46 : i32
      %dma_wait3A_48 = arith.constant 0 : i32
      %dma_wait3A_49 = tpu.memref_slice %arg9[%add3A_47, %dma_wait3A_48] : memref<40x128xi32, #tpu.memory_space<vmem>> -> memref<1x128xi32, #tpu.memory_space<vmem>>
      %dma_wait3A_50 = tpu.memref_squeeze %dma_wait3A_49 : memref<1x128xi32, #tpu.memory_space<vmem>> -> memref<128xi32, #tpu.memory_space<vmem>>
      %dma_wait3A_51 = arith.constant 0 : i32
      %dma_wait3A_52 = arith.constant 0 : i32
      %dma_wait3A_53 = tpu.memref_slice %arg2[%dma_wait3A_51, %dma_wait3A_52] : memref<10240x128xf32, #tpu.memory_space<hbm>> -> memref<10240x128xf32, #tpu.memory_space<hbm>>
      tpu.wait_indirect_dma semaphore(%arg14 : memref<!tpu.dma_semaphore, #tpu.memory_space<semaphore_mem>>) src(%dma_wait3A_53 : memref<10240x128xf32, #tpu.memory_space<hbm>>) dst(%arg12 : memref<128x128xf32, #tpu.memory_space<vmem>>)
      %add3A_54 = arith.constant 1 : i32
      %add3A_55 = arith.addi %mul3A_28, %add3A_54 : i32
      "tpu.region"() ({
        %run_scoped3A = tpu.sem_alloc : memref<!tpu.dma_semaphore, #tpu.memory_space<semaphore_mem>>
        %dma_start3A_56 = arith.constant 0 : i32
        %dma_start3A_57 = tpu.memref_slice %arg10[%add3A_55, %dma_start3A_56] : memref<40x128xi32, #tpu.memory_space<vmem>> -> memref<1x128xi32, #tpu.memory_space<vmem>>
        %dma_start3A_58 = tpu.memref_squeeze %dma_start3A_57 : memref<1x128xi32, #tpu.memory_space<vmem>> -> memref<128xi32, #tpu.memory_space<vmem>>
        %dma_start3A_59 = arith.constant 0 : i32
        %dma_start3A_60 = arith.constant 0 : i32
        %dma_start3A_61 = tpu.memref_slice %arg8[%dma_start3A_59, %dma_start3A_60] : memref<10240x128xf32, #tpu.memory_space<vmem_shared>> -> memref<10240x128xf32, #tpu.memory_space<vmem_shared>>
        tpu.enqueue_indirect_dma source(%arg12 : memref<128x128xf32, #tpu.memory_space<vmem>>) target(%dma_start3A_61 : memref<10240x128xf32, #tpu.memory_space<vmem_shared>>) offsets(%dma_start3A_58 : memref<128xi32, #tpu.memory_space<vmem>>) semaphore(%run_scoped3A : memref<!tpu.dma_semaphore, #tpu.memory_space<semaphore_mem>>) {add = true}
        %dma_wait3A_62 = arith.constant 0 : i32
        %dma_wait3A_63 = tpu.memref_slice %arg10[%add3A_55, %dma_wait3A_62] : memref<40x128xi32, #tpu.memory_space<vmem>> -> memref<1x128xi32, #tpu.memory_space<vmem>>
        %dma_wait3A_64 = tpu.memref_squeeze %dma_wait3A_63 : memref<1x128xi32, #tpu.memory_space<vmem>> -> memref<128xi32, #tpu.memory_space<vmem>>
        %dma_wait3A_65 = arith.constant 0 : i32
        %dma_wait3A_66 = arith.constant 0 : i32
        %dma_wait3A_67 = tpu.memref_slice %arg8[%dma_wait3A_65, %dma_wait3A_66] : memref<10240x128xf32, #tpu.memory_space<vmem_shared>> -> memref<10240x128xf32, #tpu.memory_space<vmem_shared>>
        tpu.wait_indirect_dma semaphore(%run_scoped3A : memref<!tpu.dma_semaphore, #tpu.memory_space<semaphore_mem>>) src(%arg12 : memref<128x128xf32, #tpu.memory_space<vmem>>) dst(%dma_wait3A_67 : memref<10240x128xf32, #tpu.memory_space<vmem_shared>>)
        tpu.yield
      }) : () -> ()
    }
    %scan3A_17 = arith.constant 20 : i32
    %barrier3A_18 = arith.constant 0 : index
    tpu.barrier barrier_id(%barrier3A_18)
    %eq3A = arith.constant 0 : i32
    %eq3A_19 = arith.cmpi eq, %arg0, %eq3A : i32
    %convert_element_type3A = arith.extui %eq3A_19 : i1 to i32
    %cond3A = arith.constant 0 : i32
    %cond3A_20 = arith.cmpi ne, %convert_element_type3A, %cond3A : i32
    scf.if %cond3A_20 {
      "tpu.region"() ({
        %run_scoped3A = tpu.sem_alloc : memref<!tpu.dma_semaphore, #tpu.memory_space<semaphore_mem>>
        %dma_start3A_26 = arith.constant 0 : i32
        %dma_start3A_27 = tpu.memref_slice %arg6[%mul3A_2, %dma_start3A_26] : memref<10240x128xf32, #tpu.memory_space<hbm>> -> memref<640x128xf32, #tpu.memory_space<hbm>>
        %dma_start3A_28 = arith.constant 0 : i32
        %dma_start3A_29 = tpu.memref_slice %arg8[%mul3A_2, %dma_start3A_28] : memref<10240x128xf32, #tpu.memory_space<vmem_shared>> -> memref<640x128xf32, #tpu.memory_space<vmem_shared>>
        tpu.enqueue_dma source(%dma_start3A_29 : memref<640x128xf32, #tpu.memory_space<vmem_shared>>) target(%dma_start3A_27 : memref<640x128xf32, #tpu.memory_space<hbm>>) target_semaphore(%run_scoped3A : memref<!tpu.dma_semaphore, #tpu.memory_space<semaphore_mem>>)
        %dma_wait3A = arith.constant 0 : i32
        %dma_wait3A_30 = tpu.memref_slice %arg6[%mul3A_2, %dma_wait3A] : memref<10240x128xf32, #tpu.memory_space<hbm>> -> memref<640x128xf32, #tpu.memory_space<hbm>>
        %dma_wait3A_31 = arith.constant 0 : i32
        %dma_wait3A_32 = tpu.memref_slice %arg8[%mul3A_2, %dma_wait3A_31] : memref<10240x128xf32, #tpu.memory_space<vmem_shared>> -> memref<640x128xf32, #tpu.memory_space<vmem_shared>>
        tpu.wait_dma2 semaphore(%run_scoped3A : memref<!tpu.dma_semaphore, #tpu.memory_space<semaphore_mem>>) src(%dma_wait3A_32 : memref<640x128xf32, #tpu.memory_space<vmem_shared>>) dst(%dma_wait3A_30 : memref<640x128xf32, #tpu.memory_space<hbm>>)
        tpu.yield
      }) : () -> ()
    } else {
    }
    %eq3A_21 = arith.constant 1 : i32
    %eq3A_22 = arith.cmpi eq, %arg0, %eq3A_21 : i32
    %convert_element_type3A_23 = arith.extui %eq3A_22 : i1 to i32
    %cond3A_24 = arith.constant 0 : i32
    %cond3A_25 = arith.cmpi ne, %convert_element_type3A_23, %cond3A_24 : i32
    scf.if %cond3A_25 {
      "tpu.region"() ({
        %run_scoped3A = tpu.sem_alloc : memref<!tpu.dma_semaphore, #tpu.memory_space<semaphore_mem>>
        %dma_start3A_26 = arith.constant 0 : i32
        %dma_start3A_27 = tpu.memref_slice %arg7[%mul3A_2, %dma_start3A_26] : memref<10240x128xf32, #tpu.memory_space<hbm>> -> memref<640x128xf32, #tpu.memory_space<hbm>>
        %dma_start3A_28 = arith.constant 0 : i32
        %dma_start3A_29 = tpu.memref_slice %arg8[%mul3A_2, %dma_start3A_28] : memref<10240x128xf32, #tpu.memory_space<vmem_shared>> -> memref<640x128xf32, #tpu.memory_space<vmem_shared>>
        tpu.enqueue_dma source(%dma_start3A_29 : memref<640x128xf32, #tpu.memory_space<vmem_shared>>) target(%dma_start3A_27 : memref<640x128xf32, #tpu.memory_space<hbm>>) target_semaphore(%run_scoped3A : memref<!tpu.dma_semaphore, #tpu.memory_space<semaphore_mem>>)
        %dma_wait3A = arith.constant 0 : i32
        %dma_wait3A_30 = tpu.memref_slice %arg7[%mul3A_2, %dma_wait3A] : memref<10240x128xf32, #tpu.memory_space<hbm>> -> memref<640x128xf32, #tpu.memory_space<hbm>>
        %dma_wait3A_31 = arith.constant 0 : i32
        %dma_wait3A_32 = tpu.memref_slice %arg8[%mul3A_2, %dma_wait3A_31] : memref<10240x128xf32, #tpu.memory_space<vmem_shared>> -> memref<640x128xf32, #tpu.memory_space<vmem_shared>>
        tpu.wait_dma2 semaphore(%run_scoped3A : memref<!tpu.dma_semaphore, #tpu.memory_space<semaphore_mem>>) src(%dma_wait3A_32 : memref<640x128xf32, #tpu.memory_space<vmem_shared>>) dst(%dma_wait3A_30 : memref<640x128xf32, #tpu.memory_space<hbm>>)
        tpu.yield
      }) : () -> ()
    } else {
    }
    return
  }
}

module attributes {stable_mosaic.version = 14 : i64} {
  func.func @_tc1_body(%arg0: i32, %arg1: memref<512x1024xf32, #tpu.memory_space<vmem>>, %arg2: memref<512x128xf32, #tpu.memory_space<vmem>>, %arg3: memref<512x128xf32, #tpu.memory_space<vmem>>, %arg4: memref<1024x128xf32, #tpu.memory_space<vmem>>, %arg5: memref<1024x128xf32, #tpu.memory_space<vmem>>) attributes {dimension_semantics = [#tpu.dimension_semantics<arbitrary>], iteration_bounds = array<i64: 10>, scalar_prefetch = 0 : i64, scratch_operands = 0 : i64, tpu.core_type = #tpu.core_type<tc>, window_params = [{transform_indices = @transform_0, window_bounds = array<i64: 512, 1024>}, {pipeline_mode = #tpu.pipeline_mode<synchronous>, transform_indices = @transform_1, window_bounds = array<i64: 512, 128>}, {pipeline_mode = #tpu.pipeline_mode<synchronous>, transform_indices = @transform_2, window_bounds = array<i64: 512, 128>}, {transform_indices = @transform_3, window_bounds = array<i64: 1024, 128>}, {transform_indices = @transform_4, window_bounds = array<i64: 1024, 128>}]} {
    %get3A = arith.constant 0 : index
    %get3A_0 = arith.constant 0 : index
    %get3A_1 = vector.load %arg1[%get3A, %get3A_0] : memref<512x1024xf32, #tpu.memory_space<vmem>>, vector<512x1024xf32>
    %get3A_2 = arith.constant 0 : index
    %get3A_3 = arith.constant 0 : index
    %get3A_4 = vector.load %arg2[%get3A_2, %get3A_3] : memref<512x128xf32, #tpu.memory_space<vmem>>, vector<512x128xf32>
    %dot_general3A = arith.constant dense<0.000000e+00> : vector<1024x128xf32>
    %dot_general3A_5 = tpu.matmul %get3A_1, %get3A_4, %dot_general3A {dimension_numbers = #tpu.dot_dimension_numbers<[0], [0], [1], [1], [0, 1, 1, 1], [], []>, transpose_lhs_hint = false} : vector<512x1024xf32>, vector<512x128xf32>, vector<1024x128xf32> -> vector<1024x128xf32>
    %swap3A = arith.constant 0 : index
    %swap3A_6 = arith.constant 0 : index
    %swap3A_7 = vector.load %arg4[%swap3A, %swap3A_6] : memref<1024x128xf32, #tpu.memory_space<vmem>>, vector<1024x128xf32>
    tpu.vector_store %arg4[%swap3A, %swap3A_6], %dot_general3A_5 {strides = array<i32>} : memref<1024x128xf32, #tpu.memory_space<vmem>>, vector<1024x128xf32>,
    %get3A_8 = arith.constant 0 : index
    %get3A_9 = arith.constant 0 : index
    %get3A_10 = vector.load %arg3[%get3A_8, %get3A_9] : memref<512x128xf32, #tpu.memory_space<vmem>>, vector<512x128xf32>
    %dot_general3A_11 = arith.constant dense<0.000000e+00> : vector<1024x128xf32>
    %dot_general3A_12 = tpu.matmul %get3A_1, %get3A_10, %dot_general3A_11 {dimension_numbers = #tpu.dot_dimension_numbers<[0], [0], [1], [1], [0, 1, 1, 1], [], []>, transpose_lhs_hint = false} : vector<512x1024xf32>, vector<512x128xf32>, vector<1024x128xf32> -> vector<1024x128xf32>
    %swap3A_13 = arith.constant 0 : index
    %swap3A_14 = arith.constant 0 : index
    %swap3A_15 = vector.load %arg5[%swap3A_13, %swap3A_14] : memref<1024x128xf32, #tpu.memory_space<vmem>>, vector<1024x128xf32>
    tpu.vector_store %arg5[%swap3A_13, %swap3A_14], %dot_general3A_12 {strides = array<i32>} : memref<1024x128xf32, #tpu.memory_space<vmem>>, vector<1024x128xf32>,
    return
  }
  func.func @transform_0(%arg0: i32) -> (i32, i32) {
    %c0_i32 = arith.constant 0 : i32
    %c0_i32_0 = arith.constant 0 : i32
    return %c0_i32, %arg0 : i32, i32
  }
  func.func @transform_1(%arg0: i32) -> (i32, i32) {
    %c0_i32 = arith.constant 0 : i32
    %c0_i32_0 = arith.constant 0 : i32
    %c0_i32_1 = arith.constant 0 : i32
    return %c0_i32, %c0_i32_0 : i32, i32
  }
  func.func @transform_2(%arg0: i32) -> (i32, i32) {
    %c0_i32 = arith.constant 0 : i32
    %c0_i32_0 = arith.constant 0 : i32
    %c0_i32_1 = arith.constant 0 : i32
    return %c0_i32, %c0_i32_0 : i32, i32
  }
  func.func @transform_3(%arg0: i32) -> (i32, i32) {
    %c0_i32 = arith.constant 0 : i32
    %c0_i32_0 = arith.constant 0 : i32
    return %arg0, %c0_i32 : i32, i32
  }
  func.func @transform_4(%arg0: i32) -> (i32, i32) {
    %c0_i32 = arith.constant 0 : i32
    %c0_i32_0 = arith.constant 0 : i32
    return %arg0, %c0_i32 : i32, i32
  }
}

module attributes {stable_mosaic.version = 14 : i64} {
  func.func @_cnt_body(%arg0: i32, %arg1: memref<1x1x4096xi32, #tpu.memory_space<vmem>>, %arg2: memref<80x128xf32, #tpu.memory_space<vmem>>) attributes {dimension_semantics = [#tpu.dimension_semantics<arbitrary>], iteration_bounds = array<i64: 40>, scalar_prefetch = 0 : i64, scratch_operands = 0 : i64, tpu.core_type = #tpu.core_type<tc>, window_params = [{transform_indices = @transform_0, window_bounds = array<i64: 1, 1, 4096>}, {pipeline_mode = #tpu.pipeline_mode<synchronous>, transform_indices = @transform_1, window_bounds = array<i64: 80, 128>}]} {
    %get3A = arith.constant 0 : index
    %get3A_0 = arith.constant 0 : index
    %get3A_1 = arith.constant 0 : index
    %get3A_2 = vector.load %arg1[%get3A, %get3A_0, %get3A_1] : memref<1x1x4096xi32, #tpu.memory_space<vmem>>, vector<1x1x4096xi32>
    %get3A_3 = vector.shape_cast %get3A_2 : vector<1x1x4096xi32> to vector<1x4096xi32>
    %shift_right_arithmetic3A = arith.constant 7 : i32
    %shift_right_arithmetic3A_4 = vector.broadcast %shift_right_arithmetic3A : i32 to vector<1x4096xi32>
    %shift_right_arithmetic3A_5 = arith.shrsi %get3A_3, %shift_right_arithmetic3A_4 : vector<1x4096xi32>
    %and3A = arith.constant 127 : i32
    %and3A_6 = vector.broadcast %and3A : i32 to vector<1x4096xi32>
    %and3A_7 = arith.andi %get3A_3, %and3A_6 : vector<1x4096xi32>
    %iota3A = tpu.iota {dimensions = array<i32: 0>} : vector<80x4096xi32>
    %eq3A = vector.broadcast %shift_right_arithmetic3A_5 : vector<1x4096xi32> to vector<80x4096xi32>
    %eq3A_8 = arith.cmpi eq, %iota3A, %eq3A : vector<80x4096xi32>
    %convert_element_type3A = arith.extui %eq3A_8 : vector<80x4096xi1> to vector<80x4096xi32>
    %convert_element_type3A_9 = arith.sitofp %convert_element_type3A : vector<80x4096xi32> to vector<80x4096xf32>
    %iota3A_10 = tpu.iota {dimensions = array<i32: 0>} : vector<128x4096xi32>
    %eq3A_11 = vector.broadcast %and3A_7 : vector<1x4096xi32> to vector<128x4096xi32>
    %eq3A_12 = arith.cmpi eq, %iota3A_10, %eq3A_11 : vector<128x4096xi32>
    %convert_element_type3A_13 = arith.extui %eq3A_12 : vector<128x4096xi1> to vector<128x4096xi32>
    %convert_element_type3A_14 = arith.sitofp %convert_element_type3A_13 : vector<128x4096xi32> to vector<128x4096xf32>
    %dot_general3A = arith.constant dense<0.000000e+00> : vector<80x128xf32>
    %dot_general3A_15 = tpu.matmul %convert_element_type3A_9, %convert_element_type3A_14, %dot_general3A {dimension_numbers = #tpu.dot_dimension_numbers<[1], [1], [0], [0], [0, 0, 1, 0], [], []>, transpose_lhs_hint = false} : vector<80x4096xf32>, vector<128x4096xf32>, vector<80x128xf32> -> vector<80x128xf32>
    %eq3A_16 = arith.constant 0 : i32
    %eq3A_17 = arith.cmpi eq, %arg0, %eq3A_16 : i32
    %convert_element_type3A_18 = arith.extui %eq3A_17 : i1 to i32
    %cond3A = arith.constant 0 : i32
    %cond3A_19 = arith.cmpi ne, %convert_element_type3A_18, %cond3A : i32
    scf.if %cond3A_19 {
      %broadcast_in_dim3A = arith.constant 0.000000e+00 : f32
      %broadcast_in_dim3A_25 = vector.broadcast %broadcast_in_dim3A : f32 to vector<80x128xf32>
      %swap3A_26 = arith.constant 0 : index
      %swap3A_27 = arith.constant 0 : index
      %swap3A_28 = vector.load %arg2[%swap3A_26, %swap3A_27] : memref<80x128xf32, #tpu.memory_space<vmem>>, vector<80x128xf32>
      tpu.vector_store %arg2[%swap3A_26, %swap3A_27], %broadcast_in_dim3A_25 {strides = array<i32>} : memref<80x128xf32, #tpu.memory_space<vmem>>, vector<80x128xf32>,
    } else {
    }
    %get3A_20 = arith.constant 0 : index
    %get3A_21 = arith.constant 0 : index
    %get3A_22 = vector.load %arg2[%get3A_20, %get3A_21] : memref<80x128xf32, #tpu.memory_space<vmem>>, vector<80x128xf32>
    %add3A = arith.addf %get3A_22, %dot_general3A_15 : vector<80x128xf32>
    %swap3A = arith.constant 0 : index
    %swap3A_23 = arith.constant 0 : index
    %swap3A_24 = vector.load %arg2[%swap3A, %swap3A_23] : memref<80x128xf32, #tpu.memory_space<vmem>>, vector<80x128xf32>
    tpu.vector_store %arg2[%swap3A, %swap3A_23], %add3A {strides = array<i32>} : memref<80x128xf32, #tpu.memory_space<vmem>>, vector<80x128xf32>,
    return
  }
  func.func @transform_0(%arg0: i32) -> (i32, i32, i32) {
    %c0_i32 = arith.constant 0 : i32
    %c0_i32_0 = arith.constant 0 : i32
    %c0_i32_1 = arith.constant 0 : i32
    return %arg0, %c0_i32, %c0_i32_0 : i32, i32, i32
  }
  func.func @transform_1(%arg0: i32) -> (i32, i32) {
    %c0_i32 = arith.constant 0 : i32
    %c0_i32_0 = arith.constant 0 : i32
    %c0_i32_1 = arith.constant 0 : i32
    return %c0_i32, %c0_i32_0 : i32, i32
  }
}

module attributes {stable_mosaic.version = 14 : i64} {
  func.func @_tc2_body(%arg0: i32, %arg1: memref<1024x128xf32, #tpu.memory_space<vmem>>, %arg2: memref<1024x128xf32, #tpu.memory_space<vmem>>, %arg3: memref<1024x1xf32, #tpu.memory_space<vmem>>, %arg4: memref<1024x128xf32, #tpu.memory_space<vmem>>, %arg5: memref<1x128xf32, #tpu.memory_space<vmem>>, %arg6: memref<128x128xf32, #tpu.memory_space<vmem>>, %arg7: memref<128x8xf32, #tpu.memory_space<vmem>>, %arg8: memref<1024x128xf32, #tpu.memory_space<vmem>>, %arg9: memref<1024x8xf32, #tpu.memory_space<vmem>>) attributes {dimension_semantics = [#tpu.dimension_semantics<arbitrary>], iteration_bounds = array<i64: 10>, scalar_prefetch = 0 : i64, scratch_operands = 0 : i64, tpu.core_type = #tpu.core_type<tc>, window_params = [{transform_indices = @transform_0, window_bounds = array<i64: 1024, 128>}, {transform_indices = @transform_1, window_bounds = array<i64: 1024, 128>}, {transform_indices = @transform_2, window_bounds = array<i64: 1024, 1>}, {transform_indices = @transform_3, window_bounds = array<i64: 1024, 128>}, {pipeline_mode = #tpu.pipeline_mode<synchronous>, transform_indices = @transform_4, window_bounds = array<i64: 1, 128>}, {pipeline_mode = #tpu.pipeline_mode<synchronous>, transform_indices = @transform_5, window_bounds = array<i64: 128, 128>}, {pipeline_mode = #tpu.pipeline_mode<synchronous>, transform_indices = @transform_6, window_bounds = array<i64: 128, 8>}, {transform_indices = @transform_7, window_bounds = array<i64: 1024, 128>}, {transform_indices = @transform_8, window_bounds = array<i64: 1024, 8>}]} {
    %get3A = arith.constant 0 : index
    %get3A_0 = arith.constant 0 : index
    %get3A_1 = vector.load %arg1[%get3A, %get3A_0] : memref<1024x128xf32, #tpu.memory_space<vmem>>, vector<1024x128xf32>
    %get3A_2 = arith.constant 0 : index
    %get3A_3 = arith.constant 0 : index
    %get3A_4 = vector.load %arg2[%get3A_2, %get3A_3] : memref<1024x128xf32, #tpu.memory_space<vmem>>, vector<1024x128xf32>
    %add3A = arith.addf %get3A_1, %get3A_4 : vector<1024x128xf32>
    %get3A_5 = arith.constant 0 : index
    %get3A_6 = arith.constant 0 : index
    %get3A_7 = vector.load %arg3[%get3A_5, %get3A_6] : memref<1024x1xf32, #tpu.memory_space<vmem>>, vector<1024x1xf32>
    %max3A = arith.constant 1.000000e+00 : f32
    %max3A_8 = vector.broadcast %max3A : f32 to vector<1024x1xf32>
    %max3A_9 = arith.maximumf %get3A_7, %max3A_8 : vector<1024x1xf32>
    %div3A = arith.constant 1.000000e+00 : f32
    %div3A_10 = vector.broadcast %div3A : f32 to vector<1024x1xf32>
    %div3A_11 = arith.divf %div3A_10, %max3A_9 : vector<1024x1xf32>
    %mul3A = vector.broadcast %div3A_11 : vector<1024x1xf32> to vector<1024x128xf32>
    %mul3A_12 = arith.mulf %add3A, %mul3A : vector<1024x128xf32>
    %get3A_13 = arith.constant 0 : index
    %get3A_14 = arith.constant 0 : index
    %get3A_15 = vector.load %arg5[%get3A_13, %get3A_14] : memref<1x128xf32, #tpu.memory_space<vmem>>, vector<1x128xf32>
    %add3A_16 = vector.broadcast %get3A_15 : vector<1x128xf32> to vector<1024x128xf32>
    %add3A_17 = arith.addf %mul3A_12, %add3A_16 : vector<1024x128xf32>
    %get3A_18 = arith.constant 0 : index
    %get3A_19 = arith.constant 0 : index
    %get3A_20 = vector.load %arg4[%get3A_18, %get3A_19] : memref<1024x128xf32, #tpu.memory_space<vmem>>, vector<1024x128xf32>
    %add3A_21 = arith.addf %add3A_17, %get3A_20 : vector<1024x128xf32>
    %max3A_22 = arith.constant 0.000000e+00 : f32
    %max3A_23 = vector.broadcast %max3A_22 : f32 to vector<1024x128xf32>
    %max3A_24 = arith.maximumf %add3A_21, %max3A_23 : vector<1024x128xf32>
    %get3A_25 = arith.constant 0 : index
    %get3A_26 = arith.constant 0 : index
    %get3A_27 = vector.load %arg6[%get3A_25, %get3A_26] : memref<128x128xf32, #tpu.memory_space<vmem>>, vector<128x128xf32>
    %dot_general3A = arith.constant dense<0.000000e+00> : vector<1024x128xf32>
    %dot_general3A_28 = tpu.matmul %max3A_24, %get3A_27, %dot_general3A {dimension_numbers = #tpu.dot_dimension_numbers<[1], [0], [0], [1], [0, 0, 1, 1], [], []>, transpose_lhs_hint = false} : vector<1024x128xf32>, vector<128x128xf32>, vector<1024x128xf32> -> vector<1024x128xf32>
    %swap3A = arith.constant 0 : index
    %swap3A_29 = arith.constant 0 : index
    %swap3A_30 = vector.load %arg8[%swap3A, %swap3A_29] : memref<1024x128xf32, #tpu.memory_space<vmem>>, vector<1024x128xf32>
    tpu.vector_store %arg8[%swap3A, %swap3A_29], %dot_general3A_28 {strides = array<i32>} : memref<1024x128xf32, #tpu.memory_space<vmem>>, vector<1024x128xf32>,
    %get3A_31 = arith.constant 0 : index
    %get3A_32 = arith.constant 0 : index
    %get3A_33 = vector.load %arg7[%get3A_31, %get3A_32] : memref<128x8xf32, #tpu.memory_space<vmem>>, vector<128x8xf32>
    %dot_general3A_34 = arith.constant dense<0.000000e+00> : vector<1024x8xf32>
    %dot_general3A_35 = tpu.matmul %max3A_24, %get3A_33, %dot_general3A_34 {dimension_numbers = #tpu.dot_dimension_numbers<[1], [0], [0], [1], [0, 0, 1, 1], [], []>, transpose_lhs_hint = false} : vector<1024x128xf32>, vector<128x8xf32>, vector<1024x8xf32> -> vector<1024x8xf32>
    %swap3A_36 = arith.constant 0 : index
    %swap3A_37 = arith.constant 0 : index
    %swap3A_38 = vector.load %arg9[%swap3A_36, %swap3A_37] : memref<1024x8xf32, #tpu.memory_space<vmem>>, vector<1024x8xf32>
    tpu.vector_store %arg9[%swap3A_36, %swap3A_37], %dot_general3A_35 {strides = array<i32>} : memref<1024x8xf32, #tpu.memory_space<vmem>>, vector<1024x8xf32>,
    return
  }
  func.func @transform_0(%arg0: i32) -> (i32, i32) {
    %c0_i32 = arith.constant 0 : i32
    %c0_i32_0 = arith.constant 0 : i32
    return %arg0, %c0_i32 : i32, i32
  }
  func.func @transform_1(%arg0: i32) -> (i32, i32) {
    %c0_i32 = arith.constant 0 : i32
    %c0_i32_0 = arith.constant 0 : i32
    return %arg0, %c0_i32 : i32, i32
  }
  func.func @transform_2(%arg0: i32) -> (i32, i32) {
    %c0_i32 = arith.constant 0 : i32
    %c0_i32_0 = arith.constant 0 : i32
    return %arg0, %c0_i32 : i32, i32
  }
  func.func @transform_3(%arg0: i32) -> (i32, i32) {
    %c0_i32 = arith.constant 0 : i32
    %c0_i32_0 = arith.constant 0 : i32
    return %arg0, %c0_i32 : i32, i32
  }
  func.func @transform_4(%arg0: i32) -> (i32, i32) {
    %c0_i32 = arith.constant 0 : i32
    %c0_i32_0 = arith.constant 0 : i32
    %c0_i32_1 = arith.constant 0 : i32
    return %c0_i32, %c0_i32_0 : i32, i32
  }
  func.func @transform_5(%arg0: i32) -> (i32, i32) {
    %c0_i32 = arith.constant 0 : i32
    %c0_i32_0 = arith.constant 0 : i32
    %c0_i32_1 = arith.constant 0 : i32
    return %c0_i32, %c0_i32_0 : i32, i32
  }
  func.func @transform_6(%arg0: i32) -> (i32, i32) {
    %c0_i32 = arith.constant 0 : i32
    %c0_i32_0 = arith.constant 0 : i32
    %c0_i32_1 = arith.constant 0 : i32
    return %c0_i32, %c0_i32_0 : i32, i32
  }
  func.func @transform_7(%arg0: i32) -> (i32, i32) {
    %c0_i32 = arith.constant 0 : i32
    %c0_i32_0 = arith.constant 0 : i32
    return %arg0, %c0_i32 : i32, i32
  }
  func.func @transform_8(%arg0: i32) -> (i32, i32) {
    %c0_i32 = arith.constant 0 : i32
    %c0_i32_0 = arith.constant 0 : i32
    return %arg0, %c0_i32 : i32, i32
  }
}

module attributes {stable_mosaic.version = 14 : i64} {
  func.func @_tc3_body(%arg0: i32, %arg1: memref<1024x128xf32, #tpu.memory_space<vmem>>, %arg2: memref<1024x128xf32, #tpu.memory_space<vmem>>, %arg3: memref<1024x1xf32, #tpu.memory_space<vmem>>, %arg4: memref<1024x8xf32, #tpu.memory_space<vmem>>, %arg5: memref<1x8xf32, #tpu.memory_space<vmem>>, %arg6: memref<1024x8xf32, #tpu.memory_space<vmem>>) attributes {dimension_semantics = [#tpu.dimension_semantics<arbitrary>], iteration_bounds = array<i64: 10>, scalar_prefetch = 0 : i64, scratch_operands = 0 : i64, tpu.core_type = #tpu.core_type<tc>, window_params = [{transform_indices = @transform_0, window_bounds = array<i64: 1024, 128>}, {transform_indices = @transform_1, window_bounds = array<i64: 1024, 128>}, {transform_indices = @transform_2, window_bounds = array<i64: 1024, 1>}, {transform_indices = @transform_3, window_bounds = array<i64: 1024, 8>}, {pipeline_mode = #tpu.pipeline_mode<synchronous>, transform_indices = @transform_4, window_bounds = array<i64: 1, 8>}, {transform_indices = @transform_5, window_bounds = array<i64: 1024, 8>}]} {
    %get3A = arith.constant 0 : index
    %get3A_0 = arith.constant 0 : index
    %get3A_1 = vector.load %arg1[%get3A, %get3A_0] : memref<1024x128xf32, #tpu.memory_space<vmem>>, vector<1024x128xf32>
    %slice3A = vector.extract_strided_slice %get3A_1 {offsets = [0, 0], sizes = [1024, 8], strides = [1, 1]} : vector<1024x128xf32> to vector<1024x8xf32>
    %get3A_2 = arith.constant 0 : index
    %get3A_3 = arith.constant 0 : index
    %get3A_4 = vector.load %arg2[%get3A_2, %get3A_3] : memref<1024x128xf32, #tpu.memory_space<vmem>>, vector<1024x128xf32>
    %slice3A_5 = vector.extract_strided_slice %get3A_4 {offsets = [0, 0], sizes = [1024, 8], strides = [1, 1]} : vector<1024x128xf32> to vector<1024x8xf32>
    %add3A = arith.addf %slice3A, %slice3A_5 : vector<1024x8xf32>
    %get3A_6 = arith.constant 0 : index
    %get3A_7 = arith.constant 0 : index
    %get3A_8 = vector.load %arg3[%get3A_6, %get3A_7] : memref<1024x1xf32, #tpu.memory_space<vmem>>, vector<1024x1xf32>
    %max3A = arith.constant 1.000000e+00 : f32
    %max3A_9 = vector.broadcast %max3A : f32 to vector<1024x1xf32>
    %max3A_10 = arith.maximumf %get3A_8, %max3A_9 : vector<1024x1xf32>
    %div3A = arith.constant 1.000000e+00 : f32
    %div3A_11 = vector.broadcast %div3A : f32 to vector<1024x1xf32>
    %div3A_12 = arith.divf %div3A_11, %max3A_10 : vector<1024x1xf32>
    %mul3A = vector.broadcast %div3A_12 : vector<1024x1xf32> to vector<1024x8xf32>
    %mul3A_13 = arith.mulf %add3A, %mul3A : vector<1024x8xf32>
    %get3A_14 = arith.constant 0 : index
    %get3A_15 = arith.constant 0 : index
    %get3A_16 = vector.load %arg5[%get3A_14, %get3A_15] : memref<1x8xf32, #tpu.memory_space<vmem>>, vector<1x8xf32>
    %add3A_17 = vector.broadcast %get3A_16 : vector<1x8xf32> to vector<1024x8xf32>
    %add3A_18 = arith.addf %mul3A_13, %add3A_17 : vector<1024x8xf32>
    %get3A_19 = arith.constant 0 : index
    %get3A_20 = arith.constant 0 : index
    %get3A_21 = vector.load %arg4[%get3A_19, %get3A_20] : memref<1024x8xf32, #tpu.memory_space<vmem>>, vector<1024x8xf32>
    %add3A_22 = arith.addf %add3A_18, %get3A_21 : vector<1024x8xf32>
    %swap3A = arith.constant 0 : index
    %swap3A_23 = arith.constant 0 : index
    %swap3A_24 = vector.load %arg6[%swap3A, %swap3A_23] : memref<1024x8xf32, #tpu.memory_space<vmem>>, vector<1024x8xf32>
    tpu.vector_store %arg6[%swap3A, %swap3A_23], %add3A_22 {strides = array<i32>} : memref<1024x8xf32, #tpu.memory_space<vmem>>, vector<1024x8xf32>,
    return
  }
  func.func @transform_0(%arg0: i32) -> (i32, i32) {
    %c0_i32 = arith.constant 0 : i32
    %c0_i32_0 = arith.constant 0 : i32
    return %arg0, %c0_i32 : i32, i32
  }
  func.func @transform_1(%arg0: i32) -> (i32, i32) {
    %c0_i32 = arith.constant 0 : i32
    %c0_i32_0 = arith.constant 0 : i32
    return %arg0, %c0_i32 : i32, i32
  }
  func.func @transform_2(%arg0: i32) -> (i32, i32) {
    %c0_i32 = arith.constant 0 : i32
    %c0_i32_0 = arith.constant 0 : i32
    return %arg0, %c0_i32 : i32, i32
  }
  func.func @transform_3(%arg0: i32) -> (i32, i32) {
    %c0_i32 = arith.constant 0 : i32
    %c0_i32_0 = arith.constant 0 : i32
    return %arg0, %c0_i32 : i32, i32
  }
  func.func @transform_4(%arg0: i32) -> (i32, i32) {
    %c0_i32 = arith.constant 0 : i32
    %c0_i32_0 = arith.constant 0 : i32
    %c0_i32_1 = arith.constant 0 : i32
    return %c0_i32, %c0_i32_0 : i32, i32
  }
  func.func @transform_5(%arg0: i32) -> (i32, i32) {
    %c0_i32 = arith.constant 0 : i32
    %c0_i32_0 = arith.constant 0 : i32
    return %arg0, %c0_i32 : i32, i32
  }
}

</mosaic_0001>

<sc_bundles>
// kernel: kernel.11.cloned.1.call-start
scs
__scs_entry_jumppad:
0x0: {  	(pc) =	sbr.rel $0x88, $3  }
0x1: {  	(tag) =	ssettag $0x0;
	lr =	simm.s32 $0x1  }
0x2: {  	[smem:$0x3F99] =	sst lr;
	_ =	strace $0xD0000000  }
0x3: {  	_ = 	snop  }
0x4: {  	_ = 	snop  }
0x5: {  	_ = 	snop  }
0x6: {  	_ = 	snop  }
0x7: {  	_ = 	snop  }
__scs_overlays_trampoline_lowered:
0x8: {  	[smem:$0x3FA8] =	sst s0  }
0x9: {  	[smem:$0x3FA9] =	sst s1  }
0xa: {  	[smem:$0x3FAA] =	sst s2  }
0xb: {  	[smem:$0x3FAB] =	sst s3  }
0xc: {  	[smem:$0x3FAC] =	sst s4  }
0xd: {  	[smem:$0x3FAD] =	sst s5  }
0xe: {  	[smem:$0x3FAE] =	sst s6  }
0xf: {  	[smem:$0x3FAF] =	sst s7  }
0x10: {  	[smem:$0x3FB0] =	sst s8  }
0x11: {  	[smem:$0x3FB1] =	sst s9;
	s0 =	simm.s32 @!p0 $0x0  }
0x12: {  	s1 =	sld [smem:$0x3F97];
	s0 =	simm.s32 @p0 $0x1  }
0x13: {  	[smem:$0x3FB2] =	sst s0;
	s0 =	simm.s32 @!p1 $0x0  }
0x14: {  	s2 =	sld [smem:$0x3F96];
	s0 =	simm.s32 @p1 $0x1  }
0x15: {  	[smem:$0x3FB3] =	sst s0;
	s0 =	simm.s32 @!p2 $0x0  }
0x16: {  	s3 =	sld [smem:$0x3FDB];
	s0 =	simm.s32 @p2 $0x1  }
0x17: {  	s4 =	simm.s32 $0x1BF5;
	[smem:$0x3FB5] =	sst s0  }
0x18: {  	s0 =	sld [smem:$0x3F98];
	_ =	swait.ge [sflag:s4], $0x0  }
0x19: {  	s7 =	sld [smem:$0x3F99]  }
0x1a: {  	s8 =	sadd.s32 $0xFFFFE003, lr  }
0x1b: {  	s9 =	sadd.s32 $0xFFFFFEF7, lr;
	s5 =	simm.s32 $0xFFFFFFFF;
	p2 =	slt.u32 s8, $0xFFFFF086  }
0x1c: {  	p1 =	slt.u32 s9, $0xF7A;
	s5 =	simm.s32 @!p2 $0x0  }
0x1d: {  	s5 =	simm.s32 @p1 $0x1;
	p0 =	seq.s32 s7, s2  }
0x1e: {  	s7 =	smul.u32 @!p0 $0xF7A, s2;
	p2 =	seq.s32 @!p0 s5, $0x0  }
0x1f: {  	s9 =	smul.u32 $0xF7A, s1;
	s8 =	simm.s32 @!p0 $0x1BF5;
	p2 =	por !p2, p0  }
0x20: {  	[sflag:s8] =	ssyncset.s32 @!p0 $0xFFFFF086;
	s6 =	sadd.s32 @!p0 s3, s7;
	s7 =	simm.s32 @!p0 $0x108  }
0x21: {  	s3 =	sadd.s32 s3, s9;
	s6 =	sadd.s32 @!p0 $0x88, s6;
	s7 =	simm.s32 @p2 $0x1082  }
0x22: {  	[simem:s7], [sflag:s8] =	dma.local @!p0 [hbm:s6], $0xF7A  }
0x23: {  	s9 =	sor.u32 $0xD0000000, s2;
	s6 =	simm.s32 $0x108;
	_ =	swait.ge @!p0 [sflag:s8], $0x0  }
0x24: {  	s3 =	sadd.s32 $0x88, s3;
	s6 =	simm.s32 @!p1 $0x1082;
	[sflag:s4] =	ssyncset.s32 $0xFFFFF086  }
0x25: {  	[simem:s6], [sflag:s4] =	dma.local [hbm:s3], $0xF7A  }
0x26: {  	[smem:$0x3F99] =	sst s1;
	(tag) =	ssettag s2;
	_ =	strace s9  }
0x27: {  	s1 =	sld [smem:$0x3FA9]  }
0x28: {  	s2 =	sld [smem:$0x3FAA]  }
0x29: {  	s4 =	sld [smem:$0x3FAC]  }
0x2a: {  	p0 =	seq.s32 s5, $0x0;
	s5 =	sld [smem:$0x3FAD]  }
0x2b: {  	s6 =	sld [smem:$0x3FAE]  }
0x2c: {  	s7 =	sld [smem:$0x3FAF]  }
0x2d: {  	s3 =	simm.s32 $0x108;
	s8 =	sld [smem:$0x3FB0]  }
0x2e: {  	s3 =	simm.s32 @!p0 $0x1082;
	s9 =	sld [smem:$0x3FB1]  }
0x2f: {  	lr =	sadd.s32 s0, s3;
	s0 =	sld [smem:$0x3FA8]  }
0x30: {  	s3 =	sld [smem:$0x3FAB]  }
0x31: {  	[smem:$0x3FB4] =	sst s10  }
0x32: {  	s10 =	sld [smem:$0x3FB2];
	_ =	sdelay $0x3  }
0x33: {  	p0 =	seq.s32 s10, $0x1;
	s10 =	sld [smem:$0x3FB4];
	_ =	sdelay $0x3  }
0x34: {  	[smem:$0x3FB4] =	sst s10  }
0x35: {  	s10 =	sld [smem:$0x3FB3];
	_ =	sdelay $0x3  }
0x36: {  	p1 =	seq.s32 s10, $0x1;
	s10 =	sld [smem:$0x3FB4];
	_ =	sdelay $0x3  }
0x37: {  	[smem:$0x3FB4] =	sst s10  }
0x38: {  	s10 =	sld [smem:$0x3FB5]  }
0x39: {  	_ = 	snop;
	(pc) =	sbr.ind lr, $3  }
0x3a: {  	_ = 	snop  }
0x3b: {  	_ = 	snop  }
0x3c: {  	p2 =	seq.s32 s10, $0x1;
	s10 =	sld [smem:$0x3FB4]  }
0x3d: {  	_ =	shalt  }
0x3e: {  	_ =	shalt  }
0x3f: {  	_ =	shalt  }
0x40: {  	_ =	shalt  }
0x41: {  	_ =	shalt  }
0x42: {  	_ =	shalt  }
0x43: {  	_ =	shalt  }
0x44: {  	_ =	shalt  }
0x45: {  	_ =	shalt  }
0x46: {  	_ =	shalt  }
0x47: {  	_ =	shalt  }
0x48: {  	_ =	shalt  }
0x49: {  	_ =	shalt  }
0x4a: {  	_ =	shalt  }
0x4b: {  	_ =	shalt  }
0x4c: {  	_ =	shalt  }
0x4d: {  	_ =	shalt  }
0x4e: {  	_ =	shalt  }
0x4f: {  	_ =	shalt  }
0x50: {  	_ =	shalt  }
0x51: {  	_ =	shalt  }
0x52: {  	_ =	shalt  }
0x53: {  	_ =	shalt  }
0x54: {  	_ =	shalt  }
0x55: {  	_ =	shalt  }
0x56: {  	_ =	shalt  }
0x57: {  	_ =	shalt  }
0x58: {  	_ =	shalt  }
0x59: {  	_ =	shalt  }
0x5a: {  	_ =	shalt  }
0x5b: {  	_ =	shalt  }
0x5c: {  	_ =	shalt  }
0x5d: {  	_ =	shalt  }
0x5e: {  	_ =	shalt  }
0x5f: {  	_ =	shalt  }
0x60: {  	_ =	shalt  }
0x61: {  	_ =	shalt  }
0x62: {  	_ =	shalt  }
0x63: {  	_ =	shalt  }
0x64: {  	_ =	shalt  }
0x65: {  	_ =	shalt  }
0x66: {  	_ =	shalt  }
0x67: {  	_ =	shalt  }
0x68: {  	_ =	shalt  }
0x69: {  	_ =	shalt  }
0x6a: {  	_ =	shalt  }
0x6b: {  	_ =	shalt  }
0x6c: {  	_ =	shalt  }
0x6d: {  	_ =	shalt  }
0x6e: {  	_ =	shalt  }
0x6f: {  	_ =	shalt  }
0x70: {  	_ =	shalt  }
0x71: {  	_ =	shalt  }
0x72: {  	_ =	shalt  }
0x73: {  	_ =	shalt  }
0x74: {  	_ =	shalt  }
0x75: {  	_ =	shalt  }
0x76: {  	_ =	shalt  }
0x77: {  	_ =	shalt  }
0x78: {  	_ =	shalt  }
0x79: {  	_ =	shalt  }
0x7a: {  	_ =	shalt  }
0x7b: {  	_ =	shalt  }
0x7c: {  	_ =	shalt  }
0x7d: {  	_ =	shalt  }
0x7e: {  	_ =	shalt  }
0x7f: {  	_ =	shalt  }
0x80: {  	_ =	shalt  }
0x81: {  	_ =	shalt  }
0x82: {  	_ =	shalt  }
0x83: {  	_ =	shalt  }
0x84: {  	_ =	shalt  }
0x85: {  	_ =	shalt  }
0x86: {  	_ =	shalt  }
0x87: {  	_ =	shalt  }
.Lfunc_end0:
.L_simem_size_0:
called_computation.1_lowered:
.L_overlay_start_0:
0x88: {  	s2 =	sld [smem:$0x3FD9]  }
0x89: {  	s3 =	sld [smem:$0x3FFE];
	_ =	sdelay $0x1  }
0x8a: {  	s1 =	srdreg.scid  }
0x8b: {  	s0 =	sand.u32 $0x1, s1  }
0x8c: {  	s16 =	sshll.u32 s0, $0xA;
	s2 =	sadd.s32 s3, s2  }
0x8d: {  	s2 =	sadd.s32 s2, s16  }
0x8e: {  	[smem:$0x3FC0] =	sst s2  }
0x8f: {  	_ = 	snop  }
0x90: {  	(tm) =	ssettm $0x1  }
0x91: {  	s17 =	sld [smem:$0x3FFB];
	_ =	sdelay $0x3  }
0x92: {  	_ =	strace s17  }
0x93: {  	s2 =	sld [smem:$0x3FFC];
	_ =	sdelay $0x3  }
0x94: {  	_ =	strace s2  }
0x95: {  	s2 =	sld [smem:$0x3FFD];
	_ =	sdelay $0x3  }
0x96: {  	_ =	strace s2  }
0x97: {  	_ =	strace $0x8FFFFFFF  }
0x98: {  	s18 =	sld [smem:$0x3FDB];
	_ =	sdelay $0x1  }
0x99: {  	s19 =	simm.s32 $_scs_section_size  }
0x9a: {  	s4 =	simm.s32 $_size__tile_overlayer_lowered;
	s5 =	simm.s32 $_tile_overlayer_lowered  }
0x9b: {  	s22 =	simm.s32 $0x1BFF;
	s21 =	sshll.u32 s5, $0x1;
	s2 =	sadd.s32 s19, s18  }
0x9c: {  	s6 =	simm.s32 $0x0;
	s20 =	sshll.u32 s4, $0x1;
	s4 =	sadd.s32 s21, s2  }
0x9d: {  	[timem:s6], [sflag:s22] =	dma.local [hbm:s4], s20  }
0x9e: {  	_ =	swait.ge [sflag:s22], s20  }
0x9f: {  	s3 =	ssub.s32 $0x0, s20;
	[sflag:s22] =	ssyncset.done $0x0  }
0xa0: {  	[sflag:s22] =	ssyncadd.s32 s3;
	_ =	sdelay $0x1  }
0xa1: {  	s23 =	simm.s32 $0x1B8B  }
0xa2: {  	_ =	swait.ge [sflag:s23], $0x1  }
0xa3: {  	[sflag:s23] =	ssyncset.done $0x0  }
0xa4: {  	s25 =	simm.s32 $0x1B8E;
	s24 =	sld [smem:$0x3FFE];
	[sflag:s23] =	ssyncadd.s32 $0xFFFFFFFF  }
0xa5: {  	s26 =	simm.s32 $execute0_lowered;
	[smem:$0x3FD2] =	sst s25  }
0xa6: {  	s4 =	sshll.u32 s26, $0x1;
	_ =	strace $0x80000049;
	[dreg:$0x1] =	wrdreg $0xFFFFFFFF  }
0xa7: {  	s28 =	simm.s32 $_size_execute0_lowered;
	s2 =	sadd.s32 s2, s4;
	[dreg:$0x0] =	wrdreg $0x0  }
0xa8: {  	s4 =	sshll.u32 s28, $0x1;
	[dreg:$0x2] =	wrdreg s2  }
0xa9: {  	[dreg:$0x3] =	wrdreg s4  }
0xaa: {  	[dreg:$0x4] =	wrdreg $0xC0  }
0xab: {  	_ =	task [dreg:s6], $0x5FFFF  }
0xac: {  	[dreg:$0x1] =	wrdreg $0xFFFFFFFF  }
0xad: {  	[dreg:$0x0] =	wrdreg $0x60  }
0xae: {  	[dreg:$0x2] =	wrdreg s24  }
0xaf: {  	[dreg:$0x3] =	wrdreg $0x0  }
0xb0: {  	[dreg:$0x4] =	wrdreg $0x9  }
0xb1: {  	_ =	task.clear_ibuf [dreg:s6], $0x5FFFF;
	_ =	strace $0x90000049  }
0xb2: {  	s29 =	simm.s32 $0x9;
	_ =	strace $0x8000004B  }
0xb3: {  	_ =	swait.ge [sflag:s29], $0x1  }
0xb4: {  	[sflag:s29] =	ssyncadd.s32 $0xFFFFFFFF  }
0xb5: {  	_ =	strace $0x9000004B  }
0xb6: {  	_ =	sfence  }
0xb7: {  	s30 =	sld [smem:$0x0];
	_ =	sdelay $0x2  }
0xb8: {  	s31 =	sshll.u32 s1, $0xD;
	s1 =	sshrl.u32 s1, $0x2  }
0xb9: {  	s3 =	sand.u32 $0x4000, s31;
	s1 =	sadd.s32 s1, s30  }
0xba: {  	s0 =	sor.u32 s3, s0;
	s1 =	sshll.u32 s1, $0x11  }
0xbb: {  	s0 =	sor.u32 s1, s0  }
0xbc: {  	s0 =	sadd.s32 $0x8F2B, s0  }
0xbd: {  	[sflag:s0] =	ssyncadd.remote.s32 $0x1  }
0xbe: {  	_ =	sfence.sel $0xFFFF  }
0xbf: {  	[dreg:$0x0] =	wrdreg $0xFFFFFFFF;
	(pc) =	sbr.abs _section_cstart, $3  }
0xc0: {  	[dreg:$0x1] =	wrdreg $0xFFFFFFFF  }
0xc1: {  	_ =	task.clear_ibuf [dreg:s6], $0x2FFFF;
	_ =	strace $0x9FFFFFFF  }
0xc2: {  	(tm) =	ssettm $0x7FFFFFFF  }
0xc3: {  	_ =	shalt  }
tec
execute0_lowered:
.L_overlay_start_1:
0x0: {  	(tag) =	ssettag $0x1  }
0x1: {  	s1 =	srdreg.scid  }
0x2: {  	s0 =	stileid.u32;
	s5 =	rddreg [dreg:$0x0]  }
0x3: {  	s2 =	rddreg [dreg:$0x1];
	s3 =	simm.s32 $0x0;
	s14 =	simm.s32 $0x15400  }
0x4: {  	s15 =	simm.s32 $0x80;
	s16 =	simm.s32 $0x16800;
	s17 =	simm.s32 $0x1A800  }
0x5: {  	s18 =	simm.s32 $0x1;
	s19 =	simm.s32 $0x2;
	s20 =	simm.s32 $0x15380  }
0x6: {  	s21 =	simm.s32 $0x16700;
	s22 =	simm.s32 $0x16780;
	s23 =	simm.s32 $0x0  }
0x7: {  	s7 =	sand.u32 $0x1, s1;
	s1 =	rddreg [dreg:$0x2];
	s8 =	smul.u32 $0x2800, s0  }
0x8: {  	s28 =	sshll.u32 s0, $0x1;
	[smem:$0x7FF] =	sst s3;
	s10 =	smul.u32 $0x50000, s0  }
0x9: {  	s31 =	sshll.u32 s0, $0x6;
	s4 =	sor.u32 s7, s28;
	_ =	strace $0x8000004A  }
0xa: {  	s9 =	ssub.s32 $0x2, s7;
	p0 =	seq.s32 s7, $0x1;
	s6 =	smul.u32 $0x280, s4  }
0xb: {  	s4 =	sadd.s32 $0xD200, s5;
	s29 =	sshrl.u32 s9, $0x1;
	s12 =	sadd.s32 s8, s5  }
0xc: {  	s30 =	sshrl.u32 s10, $0x2;
	s10 =	simm.s32 $0xAD200;
	s9 =	ssub.s32 s9, s29  }
0xd: {  	s13 =	sadd.s32 s30, s2;
	s10 =	simm.s32 @!p0 $0x85200;
	s11 =	sadd.s32 s6, s5  }
0xe: {  	s5 =	sadd.s32 $0x5D200, s12;
	s6 =	sor.u32 $0x1C03, s31;
	s9 =	smax.u32 s9, $0x1  }
0xf: {  	s10 =	sadd.s32 s10, s12;
	s12 =	simm.s32 $0x3;
	s7 =	sadd.s32 $0x8200, s11  }
0x10: {  	s8 =	sadd.s32 $0x3200, s11;
	s11 =	sshrl.u32 s13, $0x3;
	s13 =	simm.s32 $0x14000  }
.LBB2_1:
0x11: {  	[spmem:s11], [sflag:s6] =	dma.local [hbm:s5], $0x2800  }
0x12: {  	_ =	swait.ge [sflag:s12], $0x2800  }
0x13: {  	[sflag:s12] =	ssyncset.done $0x0  }
0x14: {  	[sflag:s12] =	ssyncadd.s32 $0xFFFFD800  }
0x15: {  	[tilespmem:s13], [sflag:$0x3] =	stream.linear.gather [hbm4b:s7+s3], $0x1400, $0x38;
	[tilespmem:$0x1E800] =	vst v63  }
0x16: {  	_ =	swait.ge [sflag:s12], $0x1400  }
0x17: {  	[sflag:s12] =	ssyncset.done $0x0  }
0x18: {  	[sflag:s12] =	ssyncadd.s32 $0xFFFFEC00  }
0x19: {  	[tilespmem:s14], [sflag:$0x3] =	stream.linear.gather [hbm4b:s8+s3], $0x1400, $0x38;
	[tilespmem:$0x1E800] =	vst v63  }
0x1a: {  	_ =	swait.ge [sflag:s12], $0x1400  }
0x1b: {  	[sflag:s12] =	ssyncset.done $0x0  }
0x1c: {  	[sflag:s12] =	ssyncadd.s32 $0xFFFFEC00  }
0x1d: {  	[bflag:$0x0] =	sbarrier.arrive $0xFFFF  }
0x1e: {  	[tilespmem:s16], [sflag:$0x1] =	stream.indirect.gather [hbm4b:s4+s15], $0x80, s13, s15, $0xb8;
	[tilespmem:$0x1E800] =	vst v63  }
0x1f: {  	s24 =	simm.s32 $0x14080  }
0x20: {  	[tilespmem:s17], [sflag:$0x2] =	stream.indirect.gather [hbm4b:s4+s15], $0x80, s24, s15, $0xb8;
	[tilespmem:$0x1E800] =	vst v63  }
0x21: {  	_ =	swait.ge [sflag:s18], $0x4000  }
0x22: {  	[sflag:s18] =	ssyncset.done $0x0  }
0x23: {  	s29 =	simm.s32 $0x15400;
	[sflag:s18] =	ssyncadd.s32 $0xFFFFC000  }
0x24: {  	[spmem:s2] =	stream.indirect.scatter.add.f32 [tilespmem:s16], [sflag:$0x3], $0x80, s29, s15, $0xb8;
	[tilespmem:$0x1E800] =	vst v63  }
0x25: {  	_ =	swait.ge [sflag:s12], $0x4000  }
0x26: {  	[sflag:s12] =	ssyncset.done $0x0  }
0x27: {  	s30 =	simm.s32 $0x14100;
	[sflag:s12] =	ssyncadd.s32 $0xFFFFC000  }
0x28: {  	[tilespmem:s16], [sflag:$0x1] =	stream.indirect.gather [hbm4b:s4+s15], $0x80, s30, s15, $0xb8;
	[tilespmem:$0x1E800] =	vst v63  }
0x29: {  	_ =	swait.ge [sflag:s19], $0x4000  }
0x2a: {  	[sflag:s19] =	ssyncset.done $0x0  }
0x2b: {  	s31 =	simm.s32 $0x15480;
	[sflag:s19] =	ssyncadd.s32 $0xFFFFC000  }
0x2c: {  	[spmem:s2] =	stream.indirect.scatter.add.f32 [tilespmem:s17], [sflag:$0x3], $0x80, s31, s15, $0xb8;
	[tilespmem:$0x1E800] =	vst v63  }
0x2d: {  	_ =	swait.ge [sflag:s12], $0x4000  }
0x2e: {  	s25 =	simm.s32 $0x800;
	s24 =	simm.s32 $0x100;
	[sflag:s12] =	ssyncset.done $0x0  }
.LBB2_2:
0x2f: {  	s26 =	sadd.s32 $0x14080, s24  }
0x30: {  	[sflag:s12] =	ssyncadd.s32 $0xFFFFC000;
	s28 =	smov.u32 s25;
	s29 =	sadd.s32 $0x400, s25  }
0x31: {  	[tilespmem:s17], [sflag:$0x2] =	stream.indirect.gather [hbm4b:s4+s15], $0x80, s26, s15, $0xb8;
	[tilespmem:$0x1E800] =	vst v63  }
0x32: {  	p0 =	sne.s32 s25, $0x4800;
	_ =	swait.ge [sflag:s18], $0x4000  }
0x33: {  	[sflag:s18] =	ssyncset.done $0x0  }
0x34: {  	s25 =	sadd.s32 $0x15400, s24;
	[sflag:s18] =	ssyncadd.s32 $0xFFFFC000  }
0x35: {  	[spmem:s2] =	stream.indirect.scatter.add.f32 [tilespmem:s16], [sflag:$0x3], $0x80, s25, s15, $0xb8;
	[tilespmem:$0x1E800] =	vst v63  }
0x36: {  	_ =	swait.ge [sflag:s12], $0x4000  }
0x37: {  	[sflag:s12] =	ssyncset.done $0x0  }
0x38: {  	s25 =	sadd.s32 $0x14100, s24;
	[sflag:s12] =	ssyncadd.s32 $0xFFFFC000  }
0x39: {  	[tilespmem:s16], [sflag:$0x1] =	stream.indirect.gather [hbm4b:s4+s15], $0x80, s25, s15, $0xb8;
	[tilespmem:$0x1E800] =	vst v63  }
0x3a: {  	_ =	swait.ge [sflag:s19], $0x4000  }
.Ltmp0:
0x3b: {  	[sflag:s19] =	ssyncset.done $0x0;
	(pc) =	sbr.rel @p0 .LBB2_2-.Ltmp0, $4  }
0x3c: {  	s24 =	sadd.s32 $0x15480, s24;
	[sflag:s19] =	ssyncadd.s32 $0xFFFFC000  }
0x3d: {  	[spmem:s2] =	stream.indirect.scatter.add.f32 [tilespmem:s17], [sflag:$0x3], $0x80, s24, s15, $0xb8;
	[tilespmem:$0x1E800] =	vst v63  }
0x3e: {  	_ =	swait.ge [sflag:s12], $0x4000  }
0x3f: {  	s25 =	smov.u32 s29;
	s24 =	sshra.s32 s28, $0x2;
	[sflag:s12] =	ssyncset.done $0x0  }
0x40: {  	s25 =	sadd.s32 $0x14080, s24;
	[sflag:s12] =	ssyncadd.s32 $0xFFFFC000  }
0x41: {  	[tilespmem:s17], [sflag:$0x2] =	stream.indirect.gather [hbm4b:s4+s15], $0x80, s25, s15, $0xb8;
	[tilespmem:$0x1E800] =	vst v63  }
0x42: {  	_ =	swait.ge [sflag:s18], $0x4000  }
0x43: {  	[sflag:s18] =	ssyncset.done $0x0  }
0x44: {  	s29 =	sadd.s32 $0x15400, s24;
	[sflag:s18] =	ssyncadd.s32 $0xFFFFC000  }
0x45: {  	[spmem:s2] =	stream.indirect.scatter.add.f32 [tilespmem:s16], [sflag:$0x3], $0x80, s29, s15, $0xb8;
	[tilespmem:$0x1E800] =	vst v63  }
0x46: {  	_ =	swait.ge [sflag:s12], $0x4000  }
0x47: {  	[sflag:s12] =	ssyncset.done $0x0  }
0x48: {  	s30 =	sadd.s32 $0x14100, s24;
	[sflag:s12] =	ssyncadd.s32 $0xFFFFC000  }
0x49: {  	[tilespmem:s16], [sflag:$0x1] =	stream.indirect.gather [hbm4b:s4+s15], $0x80, s30, s15, $0xb8;
	[tilespmem:$0x1E800] =	vst v63  }
0x4a: {  	_ =	swait.ge [sflag:s19], $0x4000  }
0x4b: {  	[sflag:s19] =	ssyncset.done $0x0  }
0x4c: {  	s31 =	sadd.s32 $0x15480, s24;
	[sflag:s19] =	ssyncadd.s32 $0xFFFFC000  }
0x4d: {  	[spmem:s2] =	stream.indirect.scatter.add.f32 [tilespmem:s17], [sflag:$0x3], $0x80, s31, s15, $0xb8;
	[tilespmem:$0x1E800] =	vst v63  }
0x4e: {  	_ =	swait.ge [sflag:s12], $0x4000  }
0x4f: {  	[sflag:s12] =	ssyncset.done $0x0  }
0x50: {  	[sflag:s12] =	ssyncadd.s32 $0xFFFFC000  }
0x51: {  	[tilespmem:s17], [sflag:$0x2] =	stream.indirect.gather [hbm4b:s4+s15], $0x80, s20, s15, $0xb8;
	[tilespmem:$0x1E800] =	vst v63  }
0x52: {  	_ =	swait.ge [sflag:s18], $0x4000  }
0x53: {  	[sflag:s18] =	ssyncset.done $0x0  }
0x54: {  	[sflag:s18] =	ssyncadd.s32 $0xFFFFC000  }
0x55: {  	[spmem:s2] =	stream.indirect.scatter.add.f32 [tilespmem:s16], [sflag:$0x3], $0x80, s21, s15, $0xb8;
	[tilespmem:$0x1E800] =	vst v63  }
0x56: {  	_ =	swait.ge [sflag:s12], $0x4000  }
0x57: {  	[sflag:s12] =	ssyncset.done $0x0  }
0x58: {  	[sflag:s12] =	ssyncadd.s32 $0xFFFFC000  }
0x59: {  	_ =	swait.ge [sflag:s19], $0x4000  }
0x5a: {  	[sflag:s19] =	ssyncset.done $0x0  }
0x5b: {  	[sflag:s19] =	ssyncadd.s32 $0xFFFFC000  }
0x5c: {  	[spmem:s2] =	stream.indirect.scatter.add.f32 [tilespmem:s17], [sflag:$0x3], $0x80, s22, s15, $0xb8;
	[tilespmem:$0x1E800] =	vst v63  }
0x5d: {  	_ =	swait.ge [sflag:s12], $0x4000  }
0x5e: {  	s23 =	sadd.s32 $0x1, s23;
	[sflag:s12] =	ssyncset.done $0x0  }
0x5f: {  	p0 =	sne.s32 s23, s9;
	[sflag:s12] =	ssyncadd.s32 $0xFFFFC000  }
.Ltmp1:
0x60: {  	[bflag:$0x0] =	sbarrier.arrive $0xFFFF;
	(pc) =	sbr.rel @p0 .LBB2_1-.Ltmp1, $4  }
0x61: {  	[hbm:s10], [sflag:s6] =	dma.local [spmem:s11], $0x2800  }
0x62: {  	_ =	swait.ge [sflag:s12], $0x2800  }
0x63: {  	[sflag:s12] =	ssyncset.done $0x0  }
0x64: {  	[sflag:s12] =	ssyncadd.s32 $0xFFFFD800  }
0x65: {  	_ =	sfence.sel $0x180000  }
0x66: {  	[bflag:$0x0] =	sbarrier.arrive $0xFFFF  }
0x67: {  	p0 =	sne.s32 s0, $0x0;
	_ =	strace $0x9000004A  }
0x68: {  	s0 =	sadd.s32 @!p0 $0x100000, s1;
	[bflag:$0x2] =	sbarrier.arrive $0xFFFF  }
0x69: {  	[sflag:s0] =	ssyncadd.tile.s32 @!p0 $0x1;
	_ =	shalt  }
.Lfunc_end2:
_tile_overlayer_lowered:
.L_overlay_start_2:
0x6a: {  	(tag) =	ssettag $0x2  }
0x6b: {  	s0 =	rddreg [dreg:$0x0];
	s2 =	stileid.u32  }
0x6c: {  	s1 =	rddreg [dreg:$0x1];
	p0 =	sne.s32 s2, $0x0  }
0x6d: {  	s3 =	rddreg [dreg:$0x2];
	[bflag:$0x3] =	sbarrier.arrive $0xFFFF;
	s2 =	simm.s32 @!p0 $0x1C03  }
0x6e: {  	[timem:s3], [sflag:s2] =	dma.local @!p0 [hbm:s0], s1  }
0x6f: {  	s0 =	simm.s32 @!p0 $0x3  }
0x70: {  	_ =	swait.ge @!p0 [sflag:s0], s1  }
0x71: {  	s1 =	ssub.s32 @!p0 $0x0, s1;
	[sflag:s0] =	ssyncset.done @!p0 $0x0  }
0x72: {  	[sflag:s0] =	ssyncadd.s32 @!p0 s1  }
0x73: {  	[bflag:$0x3] =	sbarrier.arrive $0xFFFF  }
0x74: {  	_ =	shalt  }

// kernel: kernel.8.cloned.1.call-start
scs
__scs_entry_jumppad:
0x0: {  	(pc) =	sbr.rel $0x88, $3  }
0x1: {  	(tag) =	ssettag $0x0;
	lr =	simm.s32 $0x1  }
0x2: {  	[smem:$0x3F99] =	sst lr;
	_ =	strace $0xD0000000  }
0x3: {  	_ = 	snop  }
0x4: {  	_ = 	snop  }
0x5: {  	_ = 	snop  }
0x6: {  	_ = 	snop  }
0x7: {  	_ = 	snop  }
__scs_overlays_trampoline_lowered:
0x8: {  	[smem:$0x3FA8] =	sst s0  }
0x9: {  	[smem:$0x3FA9] =	sst s1  }
0xa: {  	[smem:$0x3FAA] =	sst s2  }
0xb: {  	[smem:$0x3FAB] =	sst s3  }
0xc: {  	[smem:$0x3FAC] =	sst s4  }
0xd: {  	[smem:$0x3FAD] =	sst s5  }
0xe: {  	[smem:$0x3FAE] =	sst s6  }
0xf: {  	[smem:$0x3FAF] =	sst s7  }
0x10: {  	[smem:$0x3FB0] =	sst s8  }
0x11: {  	[smem:$0x3FB1] =	sst s9;
	s0 =	simm.s32 @!p0 $0x0  }
0x12: {  	s1 =	sld [smem:$0x3F97];
	s0 =	simm.s32 @p0 $0x1  }
0x13: {  	[smem:$0x3FB2] =	sst s0;
	s0 =	simm.s32 @!p1 $0x0  }
0x14: {  	s2 =	sld [smem:$0x3F96];
	s0 =	simm.s32 @p1 $0x1  }
0x15: {  	[smem:$0x3FB3] =	sst s0;
	s0 =	simm.s32 @!p2 $0x0  }
0x16: {  	s3 =	sld [smem:$0x3FDB];
	s0 =	simm.s32 @p2 $0x1  }
0x17: {  	s4 =	simm.s32 $0x1BF5;
	[smem:$0x3FB5] =	sst s0  }
0x18: {  	s0 =	sld [smem:$0x3F98];
	_ =	swait.ge [sflag:s4], $0x0  }
0x19: {  	s7 =	sld [smem:$0x3F99]  }
0x1a: {  	s8 =	sadd.s32 $0xFFFFE003, lr  }
0x1b: {  	s9 =	sadd.s32 $0xFFFFFEF7, lr;
	s5 =	simm.s32 $0xFFFFFFFF;
	p2 =	slt.u32 s8, $0xFFFFF086  }
0x1c: {  	p1 =	slt.u32 s9, $0xF7A;
	s5 =	simm.s32 @!p2 $0x0  }
0x1d: {  	s5 =	simm.s32 @p1 $0x1;
	p0 =	seq.s32 s7, s2  }
0x1e: {  	s7 =	smul.u32 @!p0 $0xF7A, s2;
	p2 =	seq.s32 @!p0 s5, $0x0  }
0x1f: {  	s9 =	smul.u32 $0xF7A, s1;
	s8 =	simm.s32 @!p0 $0x1BF5;
	p2 =	por !p2, p0  }
0x20: {  	[sflag:s8] =	ssyncset.s32 @!p0 $0xFFFFF086;
	s6 =	sadd.s32 @!p0 s3, s7;
	s7 =	simm.s32 @!p0 $0x108  }
0x21: {  	s3 =	sadd.s32 s3, s9;
	s6 =	sadd.s32 @!p0 $0x88, s6;
	s7 =	simm.s32 @p2 $0x1082  }
0x22: {  	[simem:s7], [sflag:s8] =	dma.local @!p0 [hbm:s6], $0xF7A  }
0x23: {  	s9 =	sor.u32 $0xD0000000, s2;
	s6 =	simm.s32 $0x108;
	_ =	swait.ge @!p0 [sflag:s8], $0x0  }
0x24: {  	s3 =	sadd.s32 $0x88, s3;
	s6 =	simm.s32 @!p1 $0x1082;
	[sflag:s4] =	ssyncset.s32 $0xFFFFF086  }
0x25: {  	[simem:s6], [sflag:s4] =	dma.local [hbm:s3], $0xF7A  }
0x26: {  	[smem:$0x3F99] =	sst s1;
	(tag) =	ssettag s2;
	_ =	strace s9  }
0x27: {  	s1 =	sld [smem:$0x3FA9]  }
0x28: {  	s2 =	sld [smem:$0x3FAA]  }
0x29: {  	s4 =	sld [smem:$0x3FAC]  }
0x2a: {  	p0 =	seq.s32 s5, $0x0;
	s5 =	sld [smem:$0x3FAD]  }
0x2b: {  	s6 =	sld [smem:$0x3FAE]  }
0x2c: {  	s7 =	sld [smem:$0x3FAF]  }
0x2d: {  	s3 =	simm.s32 $0x108;
	s8 =	sld [smem:$0x3FB0]  }
0x2e: {  	s3 =	simm.s32 @!p0 $0x1082;
	s9 =	sld [smem:$0x3FB1]  }
0x2f: {  	lr =	sadd.s32 s0, s3;
	s0 =	sld [smem:$0x3FA8]  }
0x30: {  	s3 =	sld [smem:$0x3FAB]  }
0x31: {  	[smem:$0x3FB4] =	sst s10  }
0x32: {  	s10 =	sld [smem:$0x3FB2];
	_ =	sdelay $0x3  }
0x33: {  	p0 =	seq.s32 s10, $0x1;
	s10 =	sld [smem:$0x3FB4];
	_ =	sdelay $0x3  }
0x34: {  	[smem:$0x3FB4] =	sst s10  }
0x35: {  	s10 =	sld [smem:$0x3FB3];
	_ =	sdelay $0x3  }
0x36: {  	p1 =	seq.s32 s10, $0x1;
	s10 =	sld [smem:$0x3FB4];
	_ =	sdelay $0x3  }
0x37: {  	[smem:$0x3FB4] =	sst s10  }
0x38: {  	s10 =	sld [smem:$0x3FB5]  }
0x39: {  	_ = 	snop;
	(pc) =	sbr.ind lr, $3  }
0x3a: {  	_ = 	snop  }
0x3b: {  	_ = 	snop  }
0x3c: {  	p2 =	seq.s32 s10, $0x1;
	s10 =	sld [smem:$0x3FB4]  }
0x3d: {  	_ =	shalt  }
0x3e: {  	_ =	shalt  }
0x3f: {  	_ =	shalt  }
0x40: {  	_ =	shalt  }
0x41: {  	_ =	shalt  }
0x42: {  	_ =	shalt  }
0x43: {  	_ =	shalt  }
0x44: {  	_ =	shalt  }
0x45: {  	_ =	shalt  }
0x46: {  	_ =	shalt  }
0x47: {  	_ =	shalt  }
0x48: {  	_ =	shalt  }
0x49: {  	_ =	shalt  }
0x4a: {  	_ =	shalt  }
0x4b: {  	_ =	shalt  }
0x4c: {  	_ =	shalt  }
0x4d: {  	_ =	shalt  }
0x4e: {  	_ =	shalt  }
0x4f: {  	_ =	shalt  }
0x50: {  	_ =	shalt  }
0x51: {  	_ =	shalt  }
0x52: {  	_ =	shalt  }
0x53: {  	_ =	shalt  }
0x54: {  	_ =	shalt  }
0x55: {  	_ =	shalt  }
0x56: {  	_ =	shalt  }
0x57: {  	_ =	shalt  }
0x58: {  	_ =	shalt  }
0x59: {  	_ =	shalt  }
0x5a: {  	_ =	shalt  }
0x5b: {  	_ =	shalt  }
0x5c: {  	_ =	shalt  }
0x5d: {  	_ =	shalt  }
0x5e: {  	_ =	shalt  }
0x5f: {  	_ =	shalt  }
0x60: {  	_ =	shalt  }
0x61: {  	_ =	shalt  }
0x62: {  	_ =	shalt  }
0x63: {  	_ =	shalt  }
0x64: {  	_ =	shalt  }
0x65: {  	_ =	shalt  }
0x66: {  	_ =	shalt  }
0x67: {  	_ =	shalt  }
0x68: {  	_ =	shalt  }
0x69: {  	_ =	shalt  }
0x6a: {  	_ =	shalt  }
0x6b: {  	_ =	shalt  }
0x6c: {  	_ =	shalt  }
0x6d: {  	_ =	shalt  }
0x6e: {  	_ =	shalt  }
0x6f: {  	_ =	shalt  }
0x70: {  	_ =	shalt  }
0x71: {  	_ =	shalt  }
0x72: {  	_ =	shalt  }
0x73: {  	_ =	shalt  }
0x74: {  	_ =	shalt  }
0x75: {  	_ =	shalt  }
0x76: {  	_ =	shalt  }
0x77: {  	_ =	shalt  }
0x78: {  	_ =	shalt  }
0x79: {  	_ =	shalt  }
0x7a: {  	_ =	shalt  }
0x7b: {  	_ =	shalt  }
0x7c: {  	_ =	shalt  }
0x7d: {  	_ =	shalt  }
0x7e: {  	_ =	shalt  }
0x7f: {  	_ =	shalt  }
0x80: {  	_ =	shalt  }
0x81: {  	_ =	shalt  }
0x82: {  	_ =	shalt  }
0x83: {  	_ =	shalt  }
0x84: {  	_ =	shalt  }
0x85: {  	_ =	shalt  }
0x86: {  	_ =	shalt  }
0x87: {  	_ =	shalt  }
.Lfunc_end0:
.L_simem_size_0:
called_computation_lowered:
.L_overlay_start_0:
0x88: {  	s2 =	sld [smem:$0x3FD9]  }
0x89: {  	s3 =	sld [smem:$0x3FFE];
	_ =	sdelay $0x1  }
0x8a: {  	s1 =	srdreg.scid  }
0x8b: {  	s0 =	sand.u32 $0x1, s1  }
0x8c: {  	s16 =	sshll.u32 s0, $0xA;
	s2 =	sadd.s32 s3, s2  }
0x8d: {  	s2 =	sadd.s32 s2, s16  }
0x8e: {  	[smem:$0x3FC0] =	sst s2  }
0x8f: {  	_ = 	snop  }
0x90: {  	(tm) =	ssettm $0x1  }
0x91: {  	s17 =	sld [smem:$0x3FFB];
	_ =	sdelay $0x3  }
0x92: {  	_ =	strace s17  }
0x93: {  	s2 =	sld [smem:$0x3FFC];
	_ =	sdelay $0x3  }
0x94: {  	_ =	strace s2  }
0x95: {  	s2 =	sld [smem:$0x3FFD];
	_ =	sdelay $0x3  }
0x96: {  	_ =	strace s2  }
0x97: {  	_ =	strace $0x8FFFFFFF  }
0x98: {  	s18 =	sld [smem:$0x3FDB];
	_ =	sdelay $0x1  }
0x99: {  	s19 =	simm.s32 $_scs_section_size  }
0x9a: {  	s4 =	simm.s32 $_size__tile_overlayer_lowered;
	s5 =	simm.s32 $_tile_overlayer_lowered  }
0x9b: {  	s22 =	simm.s32 $0x1BFF;
	s21 =	sshll.u32 s5, $0x1;
	s2 =	sadd.s32 s19, s18  }
0x9c: {  	s6 =	simm.s32 $0x0;
	s20 =	sshll.u32 s4, $0x1;
	s4 =	sadd.s32 s21, s2  }
0x9d: {  	[timem:s6], [sflag:s22] =	dma.local [hbm:s4], s20  }
0x9e: {  	_ =	swait.ge [sflag:s22], s20  }
0x9f: {  	s3 =	ssub.s32 $0x0, s20;
	[sflag:s22] =	ssyncset.done $0x0  }
0xa0: {  	[sflag:s22] =	ssyncadd.s32 s3;
	_ =	sdelay $0x1  }
0xa1: {  	s23 =	simm.s32 $0x1B8B  }
0xa2: {  	_ =	swait.ge [sflag:s23], $0x1  }
0xa3: {  	[sflag:s23] =	ssyncset.done $0x0  }
0xa4: {  	s25 =	simm.s32 $0x1B8E;
	s24 =	sld [smem:$0x3FFE];
	[sflag:s23] =	ssyncadd.s32 $0xFFFFFFFF  }
0xa5: {  	s26 =	simm.s32 $execute0_lowered;
	[smem:$0x3FD2] =	sst s25  }
0xa6: {  	s4 =	sshll.u32 s26, $0x1;
	_ =	strace $0x80000046;
	[dreg:$0x1] =	wrdreg $0xFFFFFFFF  }
0xa7: {  	s28 =	simm.s32 $_size_execute0_lowered;
	s2 =	sadd.s32 s2, s4;
	[dreg:$0x0] =	wrdreg $0x0  }
0xa8: {  	s4 =	sshll.u32 s28, $0x1;
	[dreg:$0x2] =	wrdreg s2  }
0xa9: {  	[dreg:$0x3] =	wrdreg s4  }
0xaa: {  	[dreg:$0x4] =	wrdreg $0xC0  }
0xab: {  	_ =	task [dreg:s6], $0x5FFFF  }
0xac: {  	[dreg:$0x1] =	wrdreg $0xFFFFFFFF  }
0xad: {  	[dreg:$0x0] =	wrdreg $0x60  }
0xae: {  	[dreg:$0x2] =	wrdreg s24  }
0xaf: {  	[dreg:$0x3] =	wrdreg $0x0  }
0xb0: {  	[dreg:$0x4] =	wrdreg $0x9  }
0xb1: {  	_ =	task.clear_ibuf [dreg:s6], $0x5FFFF;
	_ =	strace $0x90000046  }
0xb2: {  	s29 =	simm.s32 $0x9;
	_ =	strace $0x80000048  }
0xb3: {  	_ =	swait.ge [sflag:s29], $0x1  }
0xb4: {  	[sflag:s29] =	ssyncadd.s32 $0xFFFFFFFF  }
0xb5: {  	_ =	strace $0x90000048  }
0xb6: {  	_ =	sfence  }
0xb7: {  	s30 =	sld [smem:$0x0];
	_ =	sdelay $0x2  }
0xb8: {  	s31 =	sshll.u32 s1, $0xD;
	s1 =	sshrl.u32 s1, $0x2  }
0xb9: {  	s3 =	sand.u32 $0x4000, s31;
	s1 =	sadd.s32 s1, s30  }
0xba: {  	s0 =	sor.u32 s3, s0;
	s1 =	sshll.u32 s1, $0x11  }
0xbb: {  	s0 =	sor.u32 s1, s0  }
0xbc: {  	s0 =	sadd.s32 $0x8F2B, s0  }
0xbd: {  	[sflag:s0] =	ssyncadd.remote.s32 $0x1  }
0xbe: {  	_ =	sfence.sel $0xFFFF  }
0xbf: {  	[dreg:$0x0] =	wrdreg $0xFFFFFFFF;
	(pc) =	sbr.abs _section_cstart, $3  }
0xc0: {  	[dreg:$0x1] =	wrdreg $0xFFFFFFFF  }
0xc1: {  	_ =	task.clear_ibuf [dreg:s6], $0x2FFFF;
	_ =	strace $0x9FFFFFFF  }
0xc2: {  	(tm) =	ssettm $0x7FFFFFFF  }
0xc3: {  	_ =	shalt  }
tec
execute0_lowered:
.L_overlay_start_1:
0x0: {  	(tag) =	ssettag $0x1  }
0x1: {  	s1 =	srdreg.scid  }
0x2: {  	s0 =	stileid.u32;
	s5 =	rddreg [dreg:$0x0]  }
0x3: {  	s2 =	rddreg [dreg:$0x1];
	s3 =	simm.s32 $0x0;
	s14 =	simm.s32 $0x15400  }
0x4: {  	s15 =	simm.s32 $0x80;
	s16 =	simm.s32 $0x16800;
	s17 =	simm.s32 $0x1A800  }
0x5: {  	s18 =	simm.s32 $0x1;
	s19 =	simm.s32 $0x2;
	s20 =	simm.s32 $0x15380  }
0x6: {  	s21 =	simm.s32 $0x16700;
	s22 =	simm.s32 $0x16780;
	s23 =	simm.s32 $0x0  }
0x7: {  	s7 =	sand.u32 $0x1, s1;
	s1 =	rddreg [dreg:$0x2];
	s8 =	smul.u32 $0x2800, s0  }
0x8: {  	s28 =	sshll.u32 s0, $0x1;
	[smem:$0x7FF] =	sst s3;
	s10 =	smul.u32 $0x50000, s0  }
0x9: {  	s31 =	sshll.u32 s0, $0x6;
	s4 =	sor.u32 s7, s28;
	_ =	strace $0x80000047  }
0xa: {  	s9 =	ssub.s32 $0x2, s7;
	p0 =	seq.s32 s7, $0x1;
	s6 =	smul.u32 $0x280, s4  }
0xb: {  	s4 =	sadd.s32 $0xD200, s5;
	s29 =	sshrl.u32 s9, $0x1;
	s12 =	sadd.s32 s8, s5  }
0xc: {  	s30 =	sshrl.u32 s10, $0x2;
	s10 =	simm.s32 $0xAD200;
	s9 =	ssub.s32 s9, s29  }
0xd: {  	s13 =	sadd.s32 s30, s2;
	s10 =	simm.s32 @!p0 $0x85200;
	s11 =	sadd.s32 s6, s5  }
0xe: {  	s5 =	sadd.s32 $0x5D200, s12;
	s6 =	sor.u32 $0x1C03, s31;
	s9 =	smax.u32 s9, $0x1  }
0xf: {  	s10 =	sadd.s32 s10, s12;
	s12 =	simm.s32 $0x3;
	s7 =	sadd.s32 $0x8200, s11  }
0x10: {  	s8 =	sadd.s32 $0x3200, s11;
	s11 =	sshrl.u32 s13, $0x3;
	s13 =	simm.s32 $0x14000  }
.LBB2_1:
0x11: {  	[spmem:s11], [sflag:s6] =	dma.local [hbm:s5], $0x2800  }
0x12: {  	_ =	swait.ge [sflag:s12], $0x2800  }
0x13: {  	[sflag:s12] =	ssyncset.done $0x0  }
0x14: {  	[sflag:s12] =	ssyncadd.s32 $0xFFFFD800  }
0x15: {  	[tilespmem:s13], [sflag:$0x3] =	stream.linear.gather [hbm4b:s7+s3], $0x1400, $0x38;
	[tilespmem:$0x1E800] =	vst v63  }
0x16: {  	_ =	swait.ge [sflag:s12], $0x1400  }
0x17: {  	[sflag:s12] =	ssyncset.done $0x0  }
0x18: {  	[sflag:s12] =	ssyncadd.s32 $0xFFFFEC00  }
0x19: {  	[tilespmem:s14], [sflag:$0x3] =	stream.linear.gather [hbm4b:s8+s3], $0x1400, $0x38;
	[tilespmem:$0x1E800] =	vst v63  }
0x1a: {  	_ =	swait.ge [sflag:s12], $0x1400  }
0x1b: {  	[sflag:s12] =	ssyncset.done $0x0  }
0x1c: {  	[sflag:s12] =	ssyncadd.s32 $0xFFFFEC00  }
0x1d: {  	[bflag:$0x0] =	sbarrier.arrive $0xFFFF  }
0x1e: {  	[tilespmem:s16], [sflag:$0x1] =	stream.indirect.gather [hbm4b:s4+s15], $0x80, s13, s15, $0xb8;
	[tilespmem:$0x1E800] =	vst v63  }
0x1f: {  	s24 =	simm.s32 $0x14080  }
0x20: {  	[tilespmem:s17], [sflag:$0x2] =	stream.indirect.gather [hbm4b:s4+s15], $0x80, s24, s15, $0xb8;
	[tilespmem:$0x1E800] =	vst v63  }
0x21: {  	_ =	swait.ge [sflag:s18], $0x4000  }
0x22: {  	[sflag:s18] =	ssyncset.done $0x0  }
0x23: {  	s29 =	simm.s32 $0x15400;
	[sflag:s18] =	ssyncadd.s32 $0xFFFFC000  }
0x24: {  	[spmem:s2] =	stream.indirect.scatter.add.f32 [tilespmem:s16], [sflag:$0x3], $0x80, s29, s15, $0xb8;
	[tilespmem:$0x1E800] =	vst v63  }
0x25: {  	_ =	swait.ge [sflag:s12], $0x4000  }
0x26: {  	[sflag:s12] =	ssyncset.done $0x0  }
0x27: {  	s30 =	simm.s32 $0x14100;
	[sflag:s12] =	ssyncadd.s32 $0xFFFFC000  }
0x28: {  	[tilespmem:s16], [sflag:$0x1] =	stream.indirect.gather [hbm4b:s4+s15], $0x80, s30, s15, $0xb8;
	[tilespmem:$0x1E800] =	vst v63  }
0x29: {  	_ =	swait.ge [sflag:s19], $0x4000  }
0x2a: {  	[sflag:s19] =	ssyncset.done $0x0  }
0x2b: {  	s31 =	simm.s32 $0x15480;
	[sflag:s19] =	ssyncadd.s32 $0xFFFFC000  }
0x2c: {  	[spmem:s2] =	stream.indirect.scatter.add.f32 [tilespmem:s17], [sflag:$0x3], $0x80, s31, s15, $0xb8;
	[tilespmem:$0x1E800] =	vst v63  }
0x2d: {  	_ =	swait.ge [sflag:s12], $0x4000  }
0x2e: {  	s25 =	simm.s32 $0x800;
	s24 =	simm.s32 $0x100;
	[sflag:s12] =	ssyncset.done $0x0  }
.LBB2_2:
0x2f: {  	s26 =	sadd.s32 $0x14080, s24  }
0x30: {  	[sflag:s12] =	ssyncadd.s32 $0xFFFFC000;
	s28 =	smov.u32 s25;
	s29 =	sadd.s32 $0x400, s25  }
0x31: {  	[tilespmem:s17], [sflag:$0x2] =	stream.indirect.gather [hbm4b:s4+s15], $0x80, s26, s15, $0xb8;
	[tilespmem:$0x1E800] =	vst v63  }
0x32: {  	p0 =	sne.s32 s25, $0x4800;
	_ =	swait.ge [sflag:s18], $0x4000  }
0x33: {  	[sflag:s18] =	ssyncset.done $0x0  }
0x34: {  	s25 =	sadd.s32 $0x15400, s24;
	[sflag:s18] =	ssyncadd.s32 $0xFFFFC000  }
0x35: {  	[spmem:s2] =	stream.indirect.scatter.add.f32 [tilespmem:s16], [sflag:$0x3], $0x80, s25, s15, $0xb8;
	[tilespmem:$0x1E800] =	vst v63  }
0x36: {  	_ =	swait.ge [sflag:s12], $0x4000  }
0x37: {  	[sflag:s12] =	ssyncset.done $0x0  }
0x38: {  	s25 =	sadd.s32 $0x14100, s24;
	[sflag:s12] =	ssyncadd.s32 $0xFFFFC000  }
0x39: {  	[tilespmem:s16], [sflag:$0x1] =	stream.indirect.gather [hbm4b:s4+s15], $0x80, s25, s15, $0xb8;
	[tilespmem:$0x1E800] =	vst v63  }
0x3a: {  	_ =	swait.ge [sflag:s19], $0x4000  }
.Ltmp0:
0x3b: {  	[sflag:s19] =	ssyncset.done $0x0;
	(pc) =	sbr.rel @p0 .LBB2_2-.Ltmp0, $4  }
0x3c: {  	s24 =	sadd.s32 $0x15480, s24;
	[sflag:s19] =	ssyncadd.s32 $0xFFFFC000  }
0x3d: {  	[spmem:s2] =	stream.indirect.scatter.add.f32 [tilespmem:s17], [sflag:$0x3], $0x80, s24, s15, $0xb8;
	[tilespmem:$0x1E800] =	vst v63  }
0x3e: {  	_ =	swait.ge [sflag:s12], $0x4000  }
0x3f: {  	s25 =	smov.u32 s29;
	s24 =	sshra.s32 s28, $0x2;
	[sflag:s12] =	ssyncset.done $0x0  }
0x40: {  	s25 =	sadd.s32 $0x14080, s24;
	[sflag:s12] =	ssyncadd.s32 $0xFFFFC000  }
0x41: {  	[tilespmem:s17], [sflag:$0x2] =	stream.indirect.gather [hbm4b:s4+s15], $0x80, s25, s15, $0xb8;
	[tilespmem:$0x1E800] =	vst v63  }
0x42: {  	_ =	swait.ge [sflag:s18], $0x4000  }
0x43: {  	[sflag:s18] =	ssyncset.done $0x0  }
0x44: {  	s29 =	sadd.s32 $0x15400, s24;
	[sflag:s18] =	ssyncadd.s32 $0xFFFFC000  }
0x45: {  	[spmem:s2] =	stream.indirect.scatter.add.f32 [tilespmem:s16], [sflag:$0x3], $0x80, s29, s15, $0xb8;
	[tilespmem:$0x1E800] =	vst v63  }
0x46: {  	_ =	swait.ge [sflag:s12], $0x4000  }
0x47: {  	[sflag:s12] =	ssyncset.done $0x0  }
0x48: {  	s30 =	sadd.s32 $0x14100, s24;
	[sflag:s12] =	ssyncadd.s32 $0xFFFFC000  }
0x49: {  	[tilespmem:s16], [sflag:$0x1] =	stream.indirect.gather [hbm4b:s4+s15], $0x80, s30, s15, $0xb8;
	[tilespmem:$0x1E800] =	vst v63  }
0x4a: {  	_ =	swait.ge [sflag:s19], $0x4000  }
0x4b: {  	[sflag:s19] =	ssyncset.done $0x0  }
0x4c: {  	s31 =	sadd.s32 $0x15480, s24;
	[sflag:s19] =	ssyncadd.s32 $0xFFFFC000  }
0x4d: {  	[spmem:s2] =	stream.indirect.scatter.add.f32 [tilespmem:s17], [sflag:$0x3], $0x80, s31, s15, $0xb8;
	[tilespmem:$0x1E800] =	vst v63  }
0x4e: {  	_ =	swait.ge [sflag:s12], $0x4000  }
0x4f: {  	[sflag:s12] =	ssyncset.done $0x0  }
0x50: {  	[sflag:s12] =	ssyncadd.s32 $0xFFFFC000  }
0x51: {  	[tilespmem:s17], [sflag:$0x2] =	stream.indirect.gather [hbm4b:s4+s15], $0x80, s20, s15, $0xb8;
	[tilespmem:$0x1E800] =	vst v63  }
0x52: {  	_ =	swait.ge [sflag:s18], $0x4000  }
0x53: {  	[sflag:s18] =	ssyncset.done $0x0  }
0x54: {  	[sflag:s18] =	ssyncadd.s32 $0xFFFFC000  }
0x55: {  	[spmem:s2] =	stream.indirect.scatter.add.f32 [tilespmem:s16], [sflag:$0x3], $0x80, s21, s15, $0xb8;
	[tilespmem:$0x1E800] =	vst v63  }
0x56: {  	_ =	swait.ge [sflag:s12], $0x4000  }
0x57: {  	[sflag:s12] =	ssyncset.done $0x0  }
0x58: {  	[sflag:s12] =	ssyncadd.s32 $0xFFFFC000  }
0x59: {  	_ =	swait.ge [sflag:s19], $0x4000  }
0x5a: {  	[sflag:s19] =	ssyncset.done $0x0  }
0x5b: {  	[sflag:s19] =	ssyncadd.s32 $0xFFFFC000  }
0x5c: {  	[spmem:s2] =	stream.indirect.scatter.add.f32 [tilespmem:s17], [sflag:$0x3], $0x80, s22, s15, $0xb8;
	[tilespmem:$0x1E800] =	vst v63  }
0x5d: {  	_ =	swait.ge [sflag:s12], $0x4000  }
0x5e: {  	s23 =	sadd.s32 $0x1, s23;
	[sflag:s12] =	ssyncset.done $0x0  }
0x5f: {  	p0 =	sne.s32 s23, s9;
	[sflag:s12] =	ssyncadd.s32 $0xFFFFC000  }
.Ltmp1:
0x60: {  	[bflag:$0x0] =	sbarrier.arrive $0xFFFF;
	(pc) =	sbr.rel @p0 .LBB2_1-.Ltmp1, $4  }
0x61: {  	[hbm:s10], [sflag:s6] =	dma.local [spmem:s11], $0x2800  }
0x62: {  	_ =	swait.ge [sflag:s12], $0x2800  }
0x63: {  	[sflag:s12] =	ssyncset.done $0x0  }
0x64: {  	[sflag:s12] =	ssyncadd.s32 $0xFFFFD800  }
0x65: {  	_ =	sfence.sel $0x180000  }
0x66: {  	[bflag:$0x0] =	sbarrier.arrive $0xFFFF  }
0x67: {  	p0 =	sne.s32 s0, $0x0;
	_ =	strace $0x90000047  }
0x68: {  	s0 =	sadd.s32 @!p0 $0x100000, s1;
	[bflag:$0x2] =	sbarrier.arrive $0xFFFF  }
0x69: {  	[sflag:s0] =	ssyncadd.tile.s32 @!p0 $0x1;
	_ =	shalt  }
.Lfunc_end2:
_tile_overlayer_lowered:
.L_overlay_start_2:
0x6a: {  	(tag) =	ssettag $0x2  }
0x6b: {  	s0 =	rddreg [dreg:$0x0];
	s2 =	stileid.u32  }
0x6c: {  	s1 =	rddreg [dreg:$0x1];
	p0 =	sne.s32 s2, $0x0  }
0x6d: {  	s3 =	rddreg [dreg:$0x2];
	[bflag:$0x3] =	sbarrier.arrive $0xFFFF;
	s2 =	simm.s32 @!p0 $0x1C03  }
0x6e: {  	[timem:s3], [sflag:s2] =	dma.local @!p0 [hbm:s0], s1  }
0x6f: {  	s0 =	simm.s32 @!p0 $0x3  }
0x70: {  	_ =	swait.ge @!p0 [sflag:s0], s1  }
0x71: {  	s1 =	ssub.s32 @!p0 $0x0, s1;
	[sflag:s0] =	ssyncset.done @!p0 $0x0  }
0x72: {  	[sflag:s0] =	ssyncadd.s32 @!p0 s1  }
0x73: {  	[bflag:$0x3] =	sbarrier.arrive $0xFFFF  }
0x74: {  	_ =	shalt  }

</sc_bundles>
